<compile_context>
chip_gen: v7x
topology: tpu7x:2x2x1
jax: 0.10.2.dev20260603
libtpu: 0.0.44.dev20260713+nightly
codegen_flags: <defaults>
</compile_context>

<pallas_src>
import functools

import jax
import jax.numpy as jnp
from jax import lax
from jax.experimental import pallas as pl
from jax.experimental.pallas import tpu as pltpu
from jax.experimental.pallas import tpu_sc as plsc

_NC, _NS, _L = 2, 16, 16
_NW = _NC * _NS
_UNROLL = 16
_CH = 16
_NBUF = 3
_S_SC = 512
_BS_TC = 256


@functools.lru_cache(maxsize=None)
def _make_sc(B, S_sc, D):
    s_per_w = S_sc // _NW
    ch = min(_CH, s_per_w)
    n_ch = s_per_w // ch
    n_chunks = n_ch * B

    mesh = plsc.VectorSubcoreMesh(
        core_axis_name="c", subcore_axis_name="s",
        num_cores=_NC, num_subcores=_NS)

    @functools.partial(
        pl.kernel, mesh=mesh,
        out_type=jax.ShapeDtypeStruct((B, S_sc, D), jnp.float32),
        scratch_types=(
            [pltpu.VMEM((s_per_w, D), jnp.float32)]
            + [pltpu.VMEM((ch, D), jnp.float32)] * _NBUF
            + [pltpu.SemaphoreType.DMA] * (1 + 2 * _NBUF)
        ),
    )
    def k(x_hbm, pe_hbm, out_hbm, pe_v, *rest):
        xv = rest[:_NBUF]
        pe_sem = rest[_NBUF]
        ins = rest[_NBUF + 1:_NBUF + 1 + _NBUF]
        outs = rest[_NBUF + 1 + _NBUF:]
        wid = lax.axis_index("s") * _NC + lax.axis_index("c")
        base_s = wid * s_per_w

        pe_d = pltpu.async_copy(
            pe_hbm.at[pl.ds(base_s, s_per_w)], pe_v, pe_sem)

        def start_in(t):
            j, b = divmod(t, B)
            return pltpu.async_copy(
                x_hbm.at[b, pl.ds(base_s + j * ch, ch)],
                xv[t % _NBUF], ins[t % _NBUF])

        def start_out(t):
            j, b = divmod(t, B)
            return pltpu.async_copy(
                xv[t % _NBUF],
                out_hbm.at[b, pl.ds(base_s + j * ch, ch)],
                outs[t % _NBUF])

        d_in = {t: start_in(t) for t in range(min(_NBUF - 1, n_chunks))}
        d_out = {}
        pe_d.wait()
        for t in range(n_chunks):
            ta = t + _NBUF - 1
            if ta < n_chunks:
                if ta - _NBUF >= 0:
                    d_out[ta - _NBUF].wait()
                d_in[ta] = start_in(ta)
            d_in[t].wait()
            j = t // B
            buf = xv[t % _NBUF]
            dshift = D.bit_length() - 1

            def body(i, buf=buf, j=j):
                r = i >> dshift
                c = pl.multiple_of(i & (D - 1), _L)
                plsc.addupdate(
                    buf.at[r, pl.ds(c, _L)],
                    pe_v[j * ch + r, pl.ds(c, _L)])

            plsc.parallel_loop(0, ch * D, _L, unroll=_UNROLL)(body)
            d_out[t] = start_out(t)
        for t in range(max(0, n_chunks - _NBUF), n_chunks):
            d_out[t].wait()

    return k


def _tc_add_body(x_ref, pe_ref, o_ref):
    o_ref[...] = x_ref[...] + pe_ref[...]


def _tc_call(inputs, pos_embed, s_start):
    B, S, D = inputs.shape
    blk0 = s_start // _BS_TC
    grid = ((S - s_start) // _BS_TC,)
    return pl.pallas_call(
        _tc_add_body,
        grid=grid,
        in_specs=[
            pl.BlockSpec((B, _BS_TC, D), lambda i: (0, i + blk0, 0)),
            pl.BlockSpec((1, _BS_TC, D), lambda i: (0, i + blk0, 0)),
        ],
        out_specs=pl.BlockSpec((B, _BS_TC, D), lambda i: (0, i + blk0, 0)),
        out_shape=jax.ShapeDtypeStruct((B, S, D), inputs.dtype),
    )(inputs, pos_embed[None])


def kernel(inputs, pos_embed):
    B, S, D = inputs.shape
    o_sc = _make_sc(B, _S_SC, D)(inputs, pos_embed)
    o_full = _tc_call(inputs, pos_embed, _S_SC)
    return lax.dynamic_update_slice(o_full, o_sc, (0, 0, 0))

# --- scband reference (transcript-rebuilt; emitter-appended) ---
"""Pipeline reference for scband-learned-position-embedding-39058432590106 (READ-ONLY COPY).

The authoritative reference and input builder live on the scoring server;
editing this copy changes nothing except your own understanding.
"""

import jax, jax.numpy as jnp
import numpy as np

MAX_POS = 4096
D_MODEL = 1024
BATCH = 4
SEQ = 2048

def setup_inputs(seed: int = 0) -> dict:
    key = jax.random.key(seed)
    k1, k2 = jax.random.split(key)
    inputs = jax.random.normal(k1, (BATCH, SEQ, D_MODEL), dtype=jnp.float32)
    # learned position embedding table (initializer='zeros' in the module, but use
    # small random values so the computation is non-degenerate)
    pos_embed = jax.random.normal(k2, (MAX_POS, D_MODEL), dtype=jnp.float32) * 0.02
    return {"inputs": inputs, "pos_embed": pos_embed}

def reference(inputs, pos_embed):
    # past_key_values_length = 0 (default)
    seq_len = inputs.shape[1]
    start = 0
    pe = jax.lax.dynamic_slice_in_dim(pos_embed, start, seq_len, axis=0)
    return inputs + pe

if __name__ == "__main__":
    import jax
    _d = setup_inputs()
    print(jax.jit(kernel)(*tuple(_d.values())))

</pallas_src>

<mosaic_0001>
#map = affine_map<(d0, d1) -> (0, 0, 0)>
#map1 = affine_map<(d0, d1) -> (0, 0)>
module attributes {stable_mosaic.version = 14 : i64} {
  func.func @k(%arg0: i32, %arg1: i32, %arg2: memref<4x2048x1024xf32, #tpu.memory_space<hbm>>, %arg3: memref<4096x1024xf32, #tpu.memory_space<hbm>>, %arg4: memref<4x512x1024xf32, #tpu.memory_space<hbm>>, %arg5: memref<16x1024xf32, #tpu.memory_space<vmem>>, %arg6: memref<16x1024xf32, #tpu.memory_space<vmem>>, %arg7: memref<16x1024xf32, #tpu.memory_space<vmem>>, %arg8: memref<16x1024xf32, #tpu.memory_space<vmem>>, %arg9: memref<!tpu.dma_semaphore, #tpu.memory_space<semaphore_mem>>, %arg10: memref<!tpu.dma_semaphore, #tpu.memory_space<semaphore_mem>>, %arg11: memref<!tpu.dma_semaphore, #tpu.memory_space<semaphore_mem>>, %arg12: memref<!tpu.dma_semaphore, #tpu.memory_space<semaphore_mem>>, %arg13: memref<!tpu.dma_semaphore, #tpu.memory_space<semaphore_mem>>, %arg14: memref<!tpu.dma_semaphore, #tpu.memory_space<semaphore_mem>>, %arg15: memref<!tpu.dma_semaphore, #tpu.memory_space<semaphore_mem>>) attributes {dimension_semantics = [#tpu.dimension_semantics<core_parallel>, #tpu.dimension_semantics<subcore_parallel>], iteration_bounds = array<i64: 2, 16>, scalar_prefetch = 0 : i64, scratch_operands = 11 : i64, tpu.core_type = #tpu.core_type<sc_vector_subcore>, window_params = [{transform_indices = #map}, {transform_indices = #map1}, {transform_indices = #map}]} {
    %mul3A = arith.constant 2 : i32
    %mul3A_0 = arith.muli %arg1, %mul3A : i32
    %add3A = arith.addi %mul3A_0, %arg0 : i32
    %mul3A_1 = arith.constant 16 : i32
    %mul3A_2 = arith.muli %add3A, %mul3A_1 : i32
    %dma_start3A = arith.constant 0 : i32
    %dma_start3A_3 = tpu.memref_slice %arg3[%mul3A_2, %dma_start3A] : memref<4096x1024xf32, #tpu.memory_space<hbm>> -> memref<16x1024xf32, #tpu.memory_space<hbm>>
    %dma_start3A_4 = arith.constant 0 : i32
    %dma_start3A_5 = tpu.memref_slice %arg3[%mul3A_2, %dma_start3A_4] : memref<4096x1024xf32, #tpu.memory_space<hbm>> -> memref<16x1024xf32, #tpu.memory_space<hbm>>
    tpu.enqueue_dma source(%dma_start3A_5 : memref<16x1024xf32, #tpu.memory_space<hbm>>) target(%arg5 : memref<16x1024xf32, #tpu.memory_space<vmem>>) target_semaphore(%arg9 : memref<!tpu.dma_semaphore, #tpu.memory_space<semaphore_mem>>)
    %add3A_6 = arith.constant 0 : i32
    %add3A_7 = arith.addi %mul3A_2, %add3A_6 : i32
    %dma_start3A_8 = arith.constant 0 : i32
    %dma_start3A_9 = arith.constant 0 : i32
    %dma_start3A_10 = tpu.memref_slice %arg2[%dma_start3A_8, %add3A_7, %dma_start3A_9] : memref<4x2048x1024xf32, #tpu.memory_space<hbm>> -> memref<1x16x1024xf32, #tpu.memory_space<hbm>>
    %dma_start3A_11 = tpu.memref_squeeze %dma_start3A_10 : memref<1x16x1024xf32, #tpu.memory_space<hbm>> -> memref<16x1024xf32, #tpu.memory_space<hbm>>
    %dma_start3A_12 = arith.constant 0 : i32
    %dma_start3A_13 = tpu.memref_slice %arg2[%dma_start3A_8, %add3A_7, %dma_start3A_12] : memref<4x2048x1024xf32, #tpu.memory_space<hbm>> -> memref<1x16x1024xf32, #tpu.memory_space<hbm>>
    %dma_start3A_14 = tpu.memref_squeeze %dma_start3A_13 : memref<1x16x1024xf32, #tpu.memory_space<hbm>> -> memref<16x1024xf32, #tpu.memory_space<hbm>>
    tpu.enqueue_dma source(%dma_start3A_14 : memref<16x1024xf32, #tpu.memory_space<hbm>>) target(%arg6 : memref<16x1024xf32, #tpu.memory_space<vmem>>) target_semaphore(%arg10 : memref<!tpu.dma_semaphore, #tpu.memory_space<semaphore_mem>>)
    %add3A_15 = arith.constant 0 : i32
    %add3A_16 = arith.addi %mul3A_2, %add3A_15 : i32
    %dma_start3A_17 = arith.constant 1 : i32
    %dma_start3A_18 = arith.constant 0 : i32
    %dma_start3A_19 = tpu.memref_slice %arg2[%dma_start3A_17, %add3A_16, %dma_start3A_18] : memref<4x2048x1024xf32, #tpu.memory_space<hbm>> -> memref<1x16x1024xf32, #tpu.memory_space<hbm>>
    %dma_start3A_20 = tpu.memref_squeeze %dma_start3A_19 : memref<1x16x1024xf32, #tpu.memory_space<hbm>> -> memref<16x1024xf32, #tpu.memory_space<hbm>>
    %dma_start3A_21 = arith.constant 0 : i32
    %dma_start3A_22 = tpu.memref_slice %arg2[%dma_start3A_17, %add3A_16, %dma_start3A_21] : memref<4x2048x1024xf32, #tpu.memory_space<hbm>> -> memref<1x16x1024xf32, #tpu.memory_space<hbm>>
    %dma_start3A_23 = tpu.memref_squeeze %dma_start3A_22 : memref<1x16x1024xf32, #tpu.memory_space<hbm>> -> memref<16x1024xf32, #tpu.memory_space<hbm>>
    tpu.enqueue_dma source(%dma_start3A_23 : memref<16x1024xf32, #tpu.memory_space<hbm>>) target(%arg7 : memref<16x1024xf32, #tpu.memory_space<vmem>>) target_semaphore(%arg11 : memref<!tpu.dma_semaphore, #tpu.memory_space<semaphore_mem>>)
    %dma_wait3A = arith.constant 0 : i32
    %dma_wait3A_24 = tpu.memref_slice %arg3[%mul3A_2, %dma_wait3A] : memref<4096x1024xf32, #tpu.memory_space<hbm>> -> memref<16x1024xf32, #tpu.memory_space<hbm>>
    %dma_wait3A_25 = arith.constant 0 : i32
    %dma_wait3A_26 = tpu.memref_slice %arg3[%mul3A_2, %dma_wait3A_25] : memref<4096x1024xf32, #tpu.memory_space<hbm>> -> memref<16x1024xf32, #tpu.memory_space<hbm>>
    tpu.wait_dma2 semaphore(%arg9 : memref<!tpu.dma_semaphore, #tpu.memory_space<semaphore_mem>>) src(%dma_wait3A_26 : memref<16x1024xf32, #tpu.memory_space<hbm>>) dst(%arg5 : memref<16x1024xf32, #tpu.memory_space<vmem>>)
    %add3A_27 = arith.constant 0 : i32
    %add3A_28 = arith.addi %mul3A_2, %add3A_27 : i32
    %dma_start3A_29 = arith.constant 2 : i32
    %dma_start3A_30 = arith.constant 0 : i32
    %dma_start3A_31 = tpu.memref_slice %arg2[%dma_start3A_29, %add3A_28, %dma_start3A_30] : memref<4x2048x1024xf32, #tpu.memory_space<hbm>> -> memref<1x16x1024xf32, #tpu.memory_space<hbm>>
    %dma_start3A_32 = tpu.memref_squeeze %dma_start3A_31 : memref<1x16x1024xf32, #tpu.memory_space<hbm>> -> memref<16x1024xf32, #tpu.memory_space<hbm>>
    %dma_start3A_33 = arith.constant 0 : i32
    %dma_start3A_34 = tpu.memref_slice %arg2[%dma_start3A_29, %add3A_28, %dma_start3A_33] : memref<4x2048x1024xf32, #tpu.memory_space<hbm>> -> memref<1x16x1024xf32, #tpu.memory_space<hbm>>
    %dma_start3A_35 = tpu.memref_squeeze %dma_start3A_34 : memref<1x16x1024xf32, #tpu.memory_space<hbm>> -> memref<16x1024xf32, #tpu.memory_space<hbm>>
    tpu.enqueue_dma source(%dma_start3A_35 : memref<16x1024xf32, #tpu.memory_space<hbm>>) target(%arg8 : memref<16x1024xf32, #tpu.memory_space<vmem>>) target_semaphore(%arg12 : memref<!tpu.dma_semaphore, #tpu.memory_space<semaphore_mem>>)
    %dma_wait3A_36 = arith.constant 0 : i32
    %dma_wait3A_37 = arith.constant 0 : i32
    %dma_wait3A_38 = tpu.memref_slice %arg2[%dma_wait3A_36, %add3A_7, %dma_wait3A_37] : memref<4x2048x1024xf32, #tpu.memory_space<hbm>> -> memref<1x16x1024xf32, #tpu.memory_space<hbm>>
    %dma_wait3A_39 = tpu.memref_squeeze %dma_wait3A_38 : memref<1x16x1024xf32, #tpu.memory_space<hbm>> -> memref<16x1024xf32, #tpu.memory_space<hbm>>
    %dma_wait3A_40 = arith.constant 0 : i32
    %dma_wait3A_41 = tpu.memref_slice %arg2[%dma_wait3A_36, %add3A_7, %dma_wait3A_40] : memref<4x2048x1024xf32, #tpu.memory_space<hbm>> -> memref<1x16x1024xf32, #tpu.memory_space<hbm>>
    %dma_wait3A_42 = tpu.memref_squeeze %dma_wait3A_41 : memref<1x16x1024xf32, #tpu.memory_space<hbm>> -> memref<16x1024xf32, #tpu.memory_space<hbm>>
    tpu.wait_dma2 semaphore(%arg10 : memref<!tpu.dma_semaphore, #tpu.memory_space<semaphore_mem>>) src(%dma_wait3A_42 : memref<16x1024xf32, #tpu.memory_space<hbm>>) dst(%arg6 : memref<16x1024xf32, #tpu.memory_space<vmem>>)
    %parallel_loop3A = arith.constant 0 : i32
    %parallel_loop3A_43 = arith.constant 16384 : i32
    %parallel_loop3A_44 = arith.constant 16 : i32
    scf.for %parallel_loop3A_148 = %parallel_loop3A to %parallel_loop3A_43 step %parallel_loop3A_44  : i32 {
      %parallel_loop3A_149 = arith.constant 10 : i32
      %parallel_loop3A_150 = arith.shrsi %parallel_loop3A_148, %parallel_loop3A_149 : i32
      %parallel_loop3A_151 = arith.constant 1023 : i32
      %parallel_loop3A_152 = arith.andi %parallel_loop3A_148, %parallel_loop3A_151 : i32
      %parallel_loop3A_153 = tpu.assume_multiple %parallel_loop3A_152, 16 : i32
      %parallel_loop3A_154 = arith.constant 0 : i32
      %parallel_loop3A_155 = arith.addi %parallel_loop3A_154, %parallel_loop3A_150 : i32
      %parallel_loop3A_156 = arith.index_cast %parallel_loop3A_155 : i32 to index
      %parallel_loop3A_157 = arith.index_cast %parallel_loop3A_153 : i32 to index
      %parallel_loop3A_158 = tpu.vector_load %arg5[%parallel_loop3A_156, %parallel_loop3A_157] {strides = array<i32>} : memref<16x1024xf32, #tpu.memory_space<vmem>>, vector<1x16xf32>,
      %parallel_loop3A_159 = vector.shape_cast %parallel_loop3A_158 : vector<1x16xf32> to vector<16xf32>
      %parallel_loop3A_160 = arith.index_cast %parallel_loop3A_150 : i32 to index
      %parallel_loop3A_161 = arith.index_cast %parallel_loop3A_153 : i32 to index
      %parallel_loop3A_162 = tpu.vector_load %arg6[%parallel_loop3A_160, %parallel_loop3A_161] {strides = array<i32>} : memref<16x1024xf32, #tpu.memory_space<vmem>>, vector<1x16xf32>,
      %parallel_loop3A_163 = vector.shape_cast %parallel_loop3A_162 : vector<1x16xf32> to vector<16xf32>
      %parallel_loop3A_164 = vector.shape_cast %parallel_loop3A_159 : vector<16xf32> to vector<1x16xf32>
      tpu.vector_store %arg6[%parallel_loop3A_160, %parallel_loop3A_161], %parallel_loop3A_164 {add = true, strides = array<i32>} : memref<16x1024xf32, #tpu.memory_space<vmem>>, vector<1x16xf32>,
    } {sc.loop_unroll_factor = 16 : i64, sc.parallel_access}
    %add3A_45 = arith.constant 0 : i32
    %add3A_46 = arith.addi %mul3A_2, %add3A_45 : i32
    %dma_start3A_47 = arith.constant 0 : i32
    %dma_start3A_48 = arith.constant 0 : i32
    %dma_start3A_49 = tpu.memref_slice %arg4[%dma_start3A_47, %add3A_46, %dma_start3A_48] : memref<4x512x1024xf32, #tpu.memory_space<hbm>> -> memref<1x16x1024xf32, #tpu.memory_space<hbm>>
    %dma_start3A_50 = tpu.memref_squeeze %dma_start3A_49 : memref<1x16x1024xf32, #tpu.memory_space<hbm>> -> memref<16x1024xf32, #tpu.memory_space<hbm>>
    %dma_start3A_51 = arith.constant 0 : i32
    %dma_start3A_52 = tpu.memref_slice %arg4[%dma_start3A_47, %add3A_46, %dma_start3A_51] : memref<4x512x1024xf32, #tpu.memory_space<hbm>> -> memref<1x16x1024xf32, #tpu.memory_space<hbm>>
    %dma_start3A_53 = tpu.memref_squeeze %dma_start3A_52 : memref<1x16x1024xf32, #tpu.memory_space<hbm>> -> memref<16x1024xf32, #tpu.memory_space<hbm>>
    tpu.enqueue_dma source(%arg6 : memref<16x1024xf32, #tpu.memory_space<vmem>>) target(%dma_start3A_53 : memref<16x1024xf32, #tpu.memory_space<hbm>>) target_semaphore(%arg13 : memref<!tpu.dma_semaphore, #tpu.memory_space<semaphore_mem>>)
    %dma_wait3A_54 = arith.constant 0 : i32
    %dma_wait3A_55 = arith.constant 0 : i32
    %dma_wait3A_56 = tpu.memref_slice %arg4[%dma_wait3A_54, %add3A_46, %dma_wait3A_55] : memref<4x512x1024xf32, #tpu.memory_space<hbm>> -> memref<1x16x1024xf32, #tpu.memory_space<hbm>>
    %dma_wait3A_57 = tpu.memref_squeeze %dma_wait3A_56 : memref<1x16x1024xf32, #tpu.memory_space<hbm>> -> memref<16x1024xf32, #tpu.memory_space<hbm>>
    %dma_wait3A_58 = arith.constant 0 : i32
    %dma_wait3A_59 = tpu.memref_slice %arg4[%dma_wait3A_54, %add3A_46, %dma_wait3A_58] : memref<4x512x1024xf32, #tpu.memory_space<hbm>> -> memref<1x16x1024xf32, #tpu.memory_space<hbm>>
    %dma_wait3A_60 = tpu.memref_squeeze %dma_wait3A_59 : memref<1x16x1024xf32, #tpu.memory_space<hbm>> -> memref<16x1024xf32, #tpu.memory_space<hbm>>
    tpu.wait_dma2 semaphore(%arg13 : memref<!tpu.dma_semaphore, #tpu.memory_space<semaphore_mem>>) src(%arg6 : memref<16x1024xf32, #tpu.memory_space<vmem>>) dst(%dma_wait3A_60 : memref<16x1024xf32, #tpu.memory_space<hbm>>)
    %add3A_61 = arith.constant 0 : i32
    %add3A_62 = arith.addi %mul3A_2, %add3A_61 : i32
    %dma_start3A_63 = arith.constant 3 : i32
    %dma_start3A_64 = arith.constant 0 : i32
    %dma_start3A_65 = tpu.memref_slice %arg2[%dma_start3A_63, %add3A_62, %dma_start3A_64] : memref<4x2048x1024xf32, #tpu.memory_space<hbm>> -> memref<1x16x1024xf32, #tpu.memory_space<hbm>>
    %dma_start3A_66 = tpu.memref_squeeze %dma_start3A_65 : memref<1x16x1024xf32, #tpu.memory_space<hbm>> -> memref<16x1024xf32, #tpu.memory_space<hbm>>
    %dma_start3A_67 = arith.constant 0 : i32
    %dma_start3A_68 = tpu.memref_slice %arg2[%dma_start3A_63, %add3A_62, %dma_start3A_67] : memref<4x2048x1024xf32, #tpu.memory_space<hbm>> -> memref<1x16x1024xf32, #tpu.memory_space<hbm>>
    %dma_start3A_69 = tpu.memref_squeeze %dma_start3A_68 : memref<1x16x1024xf32, #tpu.memory_space<hbm>> -> memref<16x1024xf32, #tpu.memory_space<hbm>>
    tpu.enqueue_dma source(%dma_start3A_69 : memref<16x1024xf32, #tpu.memory_space<hbm>>) target(%arg6 : memref<16x1024xf32, #tpu.memory_space<vmem>>) target_semaphore(%arg10 : memref<!tpu.dma_semaphore, #tpu.memory_space<semaphore_mem>>)
    %dma_wait3A_70 = arith.constant 1 : i32
    %dma_wait3A_71 = arith.constant 0 : i32
    %dma_wait3A_72 = tpu.memref_slice %arg2[%dma_wait3A_70, %add3A_16, %dma_wait3A_71] : memref<4x2048x1024xf32, #tpu.memory_space<hbm>> -> memref<1x16x1024xf32, #tpu.memory_space<hbm>>
    %dma_wait3A_73 = tpu.memref_squeeze %dma_wait3A_72 : memref<1x16x1024xf32, #tpu.memory_space<hbm>> -> memref<16x1024xf32, #tpu.memory_space<hbm>>
    %dma_wait3A_74 = arith.constant 0 : i32
    %dma_wait3A_75 = tpu.memref_slice %arg2[%dma_wait3A_70, %add3A_16, %dma_wait3A_74] : memref<4x2048x1024xf32, #tpu.memory_space<hbm>> -> memref<1x16x1024xf32, #tpu.memory_space<hbm>>
    %dma_wait3A_76 = tpu.memref_squeeze %dma_wait3A_75 : memref<1x16x1024xf32, #tpu.memory_space<hbm>> -> memref<16x1024xf32, #tpu.memory_space<hbm>>
    tpu.wait_dma2 semaphore(%arg11 : memref<!tpu.dma_semaphore, #tpu.memory_space<semaphore_mem>>) src(%dma_wait3A_76 : memref<16x1024xf32, #tpu.memory_space<hbm>>) dst(%arg7 : memref<16x1024xf32, #tpu.memory_space<vmem>>)
    %parallel_loop3A_77 = arith.constant 0 : i32
    %parallel_loop3A_78 = arith.constant 16384 : i32
    %parallel_loop3A_79 = arith.constant 16 : i32
    scf.for %parallel_loop3A_148 = %parallel_loop3A_77 to %parallel_loop3A_78 step %parallel_loop3A_79  : i32 {
      %parallel_loop3A_149 = arith.constant 10 : i32
      %parallel_loop3A_150 = arith.shrsi %parallel_loop3A_148, %parallel_loop3A_149 : i32
      %parallel_loop3A_151 = arith.constant 1023 : i32
      %parallel_loop3A_152 = arith.andi %parallel_loop3A_148, %parallel_loop3A_151 : i32
      %parallel_loop3A_153 = tpu.assume_multiple %parallel_loop3A_152, 16 : i32
      %parallel_loop3A_154 = arith.constant 0 : i32
      %parallel_loop3A_155 = arith.addi %parallel_loop3A_154, %parallel_loop3A_150 : i32
      %parallel_loop3A_156 = arith.index_cast %parallel_loop3A_155 : i32 to index
      %parallel_loop3A_157 = arith.index_cast %parallel_loop3A_153 : i32 to index
      %parallel_loop3A_158 = tpu.vector_load %arg5[%parallel_loop3A_156, %parallel_loop3A_157] {strides = array<i32>} : memref<16x1024xf32, #tpu.memory_space<vmem>>, vector<1x16xf32>,
      %parallel_loop3A_159 = vector.shape_cast %parallel_loop3A_158 : vector<1x16xf32> to vector<16xf32>
      %parallel_loop3A_160 = arith.index_cast %parallel_loop3A_150 : i32 to index
      %parallel_loop3A_161 = arith.index_cast %parallel_loop3A_153 : i32 to index
      %parallel_loop3A_162 = tpu.vector_load %arg7[%parallel_loop3A_160, %parallel_loop3A_161] {strides = array<i32>} : memref<16x1024xf32, #tpu.memory_space<vmem>>, vector<1x16xf32>,
      %parallel_loop3A_163 = vector.shape_cast %parallel_loop3A_162 : vector<1x16xf32> to vector<16xf32>
      %parallel_loop3A_164 = vector.shape_cast %parallel_loop3A_159 : vector<16xf32> to vector<1x16xf32>
      tpu.vector_store %arg7[%parallel_loop3A_160, %parallel_loop3A_161], %parallel_loop3A_164 {add = true, strides = array<i32>} : memref<16x1024xf32, #tpu.memory_space<vmem>>, vector<1x16xf32>,
    } {sc.loop_unroll_factor = 16 : i64, sc.parallel_access}
    %add3A_80 = arith.constant 0 : i32
    %add3A_81 = arith.addi %mul3A_2, %add3A_80 : i32
    %dma_start3A_82 = arith.constant 1 : i32
    %dma_start3A_83 = arith.constant 0 : i32
    %dma_start3A_84 = tpu.memref_slice %arg4[%dma_start3A_82, %add3A_81, %dma_start3A_83] : memref<4x512x1024xf32, #tpu.memory_space<hbm>> -> memref<1x16x1024xf32, #tpu.memory_space<hbm>>
    %dma_start3A_85 = tpu.memref_squeeze %dma_start3A_84 : memref<1x16x1024xf32, #tpu.memory_space<hbm>> -> memref<16x1024xf32, #tpu.memory_space<hbm>>
    %dma_start3A_86 = arith.constant 0 : i32
    %dma_start3A_87 = tpu.memref_slice %arg4[%dma_start3A_82, %add3A_81, %dma_start3A_86] : memref<4x512x1024xf32, #tpu.memory_space<hbm>> -> memref<1x16x1024xf32, #tpu.memory_space<hbm>>
    %dma_start3A_88 = tpu.memref_squeeze %dma_start3A_87 : memref<1x16x1024xf32, #tpu.memory_space<hbm>> -> memref<16x1024xf32, #tpu.memory_space<hbm>>
    tpu.enqueue_dma source(%arg7 : memref<16x1024xf32, #tpu.memory_space<vmem>>) target(%dma_start3A_88 : memref<16x1024xf32, #tpu.memory_space<hbm>>) target_semaphore(%arg14 : memref<!tpu.dma_semaphore, #tpu.memory_space<semaphore_mem>>)
    %dma_wait3A_89 = arith.constant 2 : i32
    %dma_wait3A_90 = arith.constant 0 : i32
    %dma_wait3A_91 = tpu.memref_slice %arg2[%dma_wait3A_89, %add3A_28, %dma_wait3A_90] : memref<4x2048x1024xf32, #tpu.memory_space<hbm>> -> memref<1x16x1024xf32, #tpu.memory_space<hbm>>
    %dma_wait3A_92 = tpu.memref_squeeze %dma_wait3A_91 : memref<1x16x1024xf32, #tpu.memory_space<hbm>> -> memref<16x1024xf32, #tpu.memory_space<hbm>>
    %dma_wait3A_93 = arith.constant 0 : i32
    %dma_wait3A_94 = tpu.memref_slice %arg2[%dma_wait3A_89, %add3A_28, %dma_wait3A_93] : memref<4x2048x1024xf32, #tpu.memory_space<hbm>> -> memref<1x16x1024xf32, #tpu.memory_space<hbm>>
    %dma_wait3A_95 = tpu.memref_squeeze %dma_wait3A_94 : memref<1x16x1024xf32, #tpu.memory_space<hbm>> -> memref<16x1024xf32, #tpu.memory_space<hbm>>
    tpu.wait_dma2 semaphore(%arg12 : memref<!tpu.dma_semaphore, #tpu.memory_space<semaphore_mem>>) src(%dma_wait3A_95 : memref<16x1024xf32, #tpu.memory_space<hbm>>) dst(%arg8 : memref<16x1024xf32, #tpu.memory_space<vmem>>)
    %parallel_loop3A_96 = arith.constant 0 : i32
    %parallel_loop3A_97 = arith.constant 16384 : i32
    %parallel_loop3A_98 = arith.constant 16 : i32
    scf.for %parallel_loop3A_148 = %parallel_loop3A_96 to %parallel_loop3A_97 step %parallel_loop3A_98  : i32 {
      %parallel_loop3A_149 = arith.constant 10 : i32
      %parallel_loop3A_150 = arith.shrsi %parallel_loop3A_148, %parallel_loop3A_149 : i32
      %parallel_loop3A_151 = arith.constant 1023 : i32
      %parallel_loop3A_152 = arith.andi %parallel_loop3A_148, %parallel_loop3A_151 : i32
      %parallel_loop3A_153 = tpu.assume_multiple %parallel_loop3A_152, 16 : i32
      %parallel_loop3A_154 = arith.constant 0 : i32
      %parallel_loop3A_155 = arith.addi %parallel_loop3A_154, %parallel_loop3A_150 : i32
      %parallel_loop3A_156 = arith.index_cast %parallel_loop3A_155 : i32 to index
      %parallel_loop3A_157 = arith.index_cast %parallel_loop3A_153 : i32 to index
      %parallel_loop3A_158 = tpu.vector_load %arg5[%parallel_loop3A_156, %parallel_loop3A_157] {strides = array<i32>} : memref<16x1024xf32, #tpu.memory_space<vmem>>, vector<1x16xf32>,
      %parallel_loop3A_159 = vector.shape_cast %parallel_loop3A_158 : vector<1x16xf32> to vector<16xf32>
      %parallel_loop3A_160 = arith.index_cast %parallel_loop3A_150 : i32 to index
      %parallel_loop3A_161 = arith.index_cast %parallel_loop3A_153 : i32 to index
      %parallel_loop3A_162 = tpu.vector_load %arg8[%parallel_loop3A_160, %parallel_loop3A_161] {strides = array<i32>} : memref<16x1024xf32, #tpu.memory_space<vmem>>, vector<1x16xf32>,
      %parallel_loop3A_163 = vector.shape_cast %parallel_loop3A_162 : vector<1x16xf32> to vector<16xf32>
      %parallel_loop3A_164 = vector.shape_cast %parallel_loop3A_159 : vector<16xf32> to vector<1x16xf32>
      tpu.vector_store %arg8[%parallel_loop3A_160, %parallel_loop3A_161], %parallel_loop3A_164 {add = true, strides = array<i32>} : memref<16x1024xf32, #tpu.memory_space<vmem>>, vector<1x16xf32>,
    } {sc.loop_unroll_factor = 16 : i64, sc.parallel_access}
    %add3A_99 = arith.constant 0 : i32
    %add3A_100 = arith.addi %mul3A_2, %add3A_99 : i32
    %dma_start3A_101 = arith.constant 2 : i32
    %dma_start3A_102 = arith.constant 0 : i32
    %dma_start3A_103 = tpu.memref_slice %arg4[%dma_start3A_101, %add3A_100, %dma_start3A_102] : memref<4x512x1024xf32, #tpu.memory_space<hbm>> -> memref<1x16x1024xf32, #tpu.memory_space<hbm>>
    %dma_start3A_104 = tpu.memref_squeeze %dma_start3A_103 : memref<1x16x1024xf32, #tpu.memory_space<hbm>> -> memref<16x1024xf32, #tpu.memory_space<hbm>>
    %dma_start3A_105 = arith.constant 0 : i32
    %dma_start3A_106 = tpu.memref_slice %arg4[%dma_start3A_101, %add3A_100, %dma_start3A_105] : memref<4x512x1024xf32, #tpu.memory_space<hbm>> -> memref<1x16x1024xf32, #tpu.memory_space<hbm>>
    %dma_start3A_107 = tpu.memref_squeeze %dma_start3A_106 : memref<1x16x1024xf32, #tpu.memory_space<hbm>> -> memref<16x1024xf32, #tpu.memory_space<hbm>>
    tpu.enqueue_dma source(%arg8 : memref<16x1024xf32, #tpu.memory_space<vmem>>) target(%dma_start3A_107 : memref<16x1024xf32, #tpu.memory_space<hbm>>) target_semaphore(%arg15 : memref<!tpu.dma_semaphore, #tpu.memory_space<semaphore_mem>>)
    %dma_wait3A_108 = arith.constant 3 : i32
    %dma_wait3A_109 = arith.constant 0 : i32
    %dma_wait3A_110 = tpu.memref_slice %arg2[%dma_wait3A_108, %add3A_62, %dma_wait3A_109] : memref<4x2048x1024xf32, #tpu.memory_space<hbm>> -> memref<1x16x1024xf32, #tpu.memory_space<hbm>>
    %dma_wait3A_111 = tpu.memref_squeeze %dma_wait3A_110 : memref<1x16x1024xf32, #tpu.memory_space<hbm>> -> memref<16x1024xf32, #tpu.memory_space<hbm>>
    %dma_wait3A_112 = arith.constant 0 : i32
    %dma_wait3A_113 = tpu.memref_slice %arg2[%dma_wait3A_108, %add3A_62, %dma_wait3A_112] : memref<4x2048x1024xf32, #tpu.memory_space<hbm>> -> memref<1x16x1024xf32, #tpu.memory_space<hbm>>
    %dma_wait3A_114 = tpu.memref_squeeze %dma_wait3A_113 : memref<1x16x1024xf32, #tpu.memory_space<hbm>> -> memref<16x1024xf32, #tpu.memory_space<hbm>>
    tpu.wait_dma2 semaphore(%arg10 : memref<!tpu.dma_semaphore, #tpu.memory_space<semaphore_mem>>) src(%dma_wait3A_114 : memref<16x1024xf32, #tpu.memory_space<hbm>>) dst(%arg6 : memref<16x1024xf32, #tpu.memory_space<vmem>>)
    %parallel_loop3A_115 = arith.constant 0 : i32
    %parallel_loop3A_116 = arith.constant 16384 : i32
    %parallel_loop3A_117 = arith.constant 16 : i32
    scf.for %parallel_loop3A_148 = %parallel_loop3A_115 to %parallel_loop3A_116 step %parallel_loop3A_117  : i32 {
      %parallel_loop3A_149 = arith.constant 10 : i32
      %parallel_loop3A_150 = arith.shrsi %parallel_loop3A_148, %parallel_loop3A_149 : i32
      %parallel_loop3A_151 = arith.constant 1023 : i32
      %parallel_loop3A_152 = arith.andi %parallel_loop3A_148, %parallel_loop3A_151 : i32
      %parallel_loop3A_153 = tpu.assume_multiple %parallel_loop3A_152, 16 : i32
      %parallel_loop3A_154 = arith.constant 0 : i32
      %parallel_loop3A_155 = arith.addi %parallel_loop3A_154, %parallel_loop3A_150 : i32
      %parallel_loop3A_156 = arith.index_cast %parallel_loop3A_155 : i32 to index
      %parallel_loop3A_157 = arith.index_cast %parallel_loop3A_153 : i32 to index
      %parallel_loop3A_158 = tpu.vector_load %arg5[%parallel_loop3A_156, %parallel_loop3A_157] {strides = array<i32>} : memref<16x1024xf32, #tpu.memory_space<vmem>>, vector<1x16xf32>,
      %parallel_loop3A_159 = vector.shape_cast %parallel_loop3A_158 : vector<1x16xf32> to vector<16xf32>
      %parallel_loop3A_160 = arith.index_cast %parallel_loop3A_150 : i32 to index
      %parallel_loop3A_161 = arith.index_cast %parallel_loop3A_153 : i32 to index
      %parallel_loop3A_162 = tpu.vector_load %arg6[%parallel_loop3A_160, %parallel_loop3A_161] {strides = array<i32>} : memref<16x1024xf32, #tpu.memory_space<vmem>>, vector<1x16xf32>,
      %parallel_loop3A_163 = vector.shape_cast %parallel_loop3A_162 : vector<1x16xf32> to vector<16xf32>
      %parallel_loop3A_164 = vector.shape_cast %parallel_loop3A_159 : vector<16xf32> to vector<1x16xf32>
      tpu.vector_store %arg6[%parallel_loop3A_160, %parallel_loop3A_161], %parallel_loop3A_164 {add = true, strides = array<i32>} : memref<16x1024xf32, #tpu.memory_space<vmem>>, vector<1x16xf32>,
    } {sc.loop_unroll_factor = 16 : i64, sc.parallel_access}
    %add3A_118 = arith.constant 0 : i32
    %add3A_119 = arith.addi %mul3A_2, %add3A_118 : i32
    %dma_start3A_120 = arith.constant 3 : i32
    %dma_start3A_121 = arith.constant 0 : i32
    %dma_start3A_122 = tpu.memref_slice %arg4[%dma_start3A_120, %add3A_119, %dma_start3A_121] : memref<4x512x1024xf32, #tpu.memory_space<hbm>> -> memref<1x16x1024xf32, #tpu.memory_space<hbm>>
    %dma_start3A_123 = tpu.memref_squeeze %dma_start3A_122 : memref<1x16x1024xf32, #tpu.memory_space<hbm>> -> memref<16x1024xf32, #tpu.memory_space<hbm>>
    %dma_start3A_124 = arith.constant 0 : i32
    %dma_start3A_125 = tpu.memref_slice %arg4[%dma_start3A_120, %add3A_119, %dma_start3A_124] : memref<4x512x1024xf32, #tpu.memory_space<hbm>> -> memref<1x16x1024xf32, #tpu.memory_space<hbm>>
    %dma_start3A_126 = tpu.memref_squeeze %dma_start3A_125 : memref<1x16x1024xf32, #tpu.memory_space<hbm>> -> memref<16x1024xf32, #tpu.memory_space<hbm>>
    tpu.enqueue_dma source(%arg6 : memref<16x1024xf32, #tpu.memory_space<vmem>>) target(%dma_start3A_126 : memref<16x1024xf32, #tpu.memory_space<hbm>>) target_semaphore(%arg13 : memref<!tpu.dma_semaphore, #tpu.memory_space<semaphore_mem>>)
    %dma_wait3A_127 = arith.constant 1 : i32
    %dma_wait3A_128 = arith.constant 0 : i32
    %dma_wait3A_129 = tpu.memref_slice %arg4[%dma_wait3A_127, %add3A_81, %dma_wait3A_128] : memref<4x512x1024xf32, #tpu.memory_space<hbm>> -> memref<1x16x1024xf32, #tpu.memory_space<hbm>>
    %dma_wait3A_130 = tpu.memref_squeeze %dma_wait3A_129 : memref<1x16x1024xf32, #tpu.memory_space<hbm>> -> memref<16x1024xf32, #tpu.memory_space<hbm>>
    %dma_wait3A_131 = arith.constant 0 : i32
    %dma_wait3A_132 = tpu.memref_slice %arg4[%dma_wait3A_127, %add3A_81, %dma_wait3A_131] : memref<4x512x1024xf32, #tpu.memory_space<hbm>> -> memref<1x16x1024xf32, #tpu.memory_space<hbm>>
    %dma_wait3A_133 = tpu.memref_squeeze %dma_wait3A_132 : memref<1x16x1024xf32, #tpu.memory_space<hbm>> -> memref<16x1024xf32, #tpu.memory_space<hbm>>
    tpu.wait_dma2 semaphore(%arg14 : memref<!tpu.dma_semaphore, #tpu.memory_space<semaphore_mem>>) src(%arg7 : memref<16x1024xf32, #tpu.memory_space<vmem>>) dst(%dma_wait3A_133 : memref<16x1024xf32, #tpu.memory_space<hbm>>)
    %dma_wait3A_134 = arith.constant 2 : i32
    %dma_wait3A_135 = arith.constant 0 : i32
    %dma_wait3A_136 = tpu.memref_slice %arg4[%dma_wait3A_134, %add3A_100, %dma_wait3A_135] : memref<4x512x1024xf32, #tpu.memory_space<hbm>> -> memref<1x16x1024xf32, #tpu.memory_space<hbm>>
    %dma_wait3A_137 = tpu.memref_squeeze %dma_wait3A_136 : memref<1x16x1024xf32, #tpu.memory_space<hbm>> -> memref<16x1024xf32, #tpu.memory_space<hbm>>
    %dma_wait3A_138 = arith.constant 0 : i32
    %dma_wait3A_139 = tpu.memref_slice %arg4[%dma_wait3A_134, %add3A_100, %dma_wait3A_138] : memref<4x512x1024xf32, #tpu.memory_space<hbm>> -> memref<1x16x1024xf32, #tpu.memory_space<hbm>>
    %dma_wait3A_140 = tpu.memref_squeeze %dma_wait3A_139 : memref<1x16x1024xf32, #tpu.memory_space<hbm>> -> memref<16x1024xf32, #tpu.memory_space<hbm>>
    tpu.wait_dma2 semaphore(%arg15 : memref<!tpu.dma_semaphore, #tpu.memory_space<semaphore_mem>>) src(%arg8 : memref<16x1024xf32, #tpu.memory_space<vmem>>) dst(%dma_wait3A_140 : memref<16x1024xf32, #tpu.memory_space<hbm>>)
    %dma_wait3A_141 = arith.constant 3 : i32
    %dma_wait3A_142 = arith.constant 0 : i32
    %dma_wait3A_143 = tpu.memref_slice %arg4[%dma_wait3A_141, %add3A_119, %dma_wait3A_142] : memref<4x512x1024xf32, #tpu.memory_space<hbm>> -> memref<1x16x1024xf32, #tpu.memory_space<hbm>>
    %dma_wait3A_144 = tpu.memref_squeeze %dma_wait3A_143 : memref<1x16x1024xf32, #tpu.memory_space<hbm>> -> memref<16x1024xf32, #tpu.memory_space<hbm>>
    %dma_wait3A_145 = arith.constant 0 : i32
    %dma_wait3A_146 = tpu.memref_slice %arg4[%dma_wait3A_141, %add3A_119, %dma_wait3A_145] : memref<4x512x1024xf32, #tpu.memory_space<hbm>> -> memref<1x16x1024xf32, #tpu.memory_space<hbm>>
    %dma_wait3A_147 = tpu.memref_squeeze %dma_wait3A_146 : memref<1x16x1024xf32, #tpu.memory_space<hbm>> -> memref<16x1024xf32, #tpu.memory_space<hbm>>
    tpu.wait_dma2 semaphore(%arg13 : memref<!tpu.dma_semaphore, #tpu.memory_space<semaphore_mem>>) src(%arg6 : memref<16x1024xf32, #tpu.memory_space<vmem>>) dst(%dma_wait3A_147 : memref<16x1024xf32, #tpu.memory_space<hbm>>)
    return
  }
}

module attributes {stable_mosaic.version = 14 : i64} {
  func.func @_tc_add_body(%arg0: i32, %arg1: memref<4x256x1024xf32, #tpu.memory_space<vmem>>, %arg2: memref<1x256x1024xf32, #tpu.memory_space<vmem>>, %arg3: memref<4x256x1024xf32, #tpu.memory_space<vmem>>) attributes {dimension_semantics = [#tpu.dimension_semantics<arbitrary>], iteration_bounds = array<i64: 6>, scalar_prefetch = 0 : i64, scratch_operands = 0 : i64, tpu.core_type = #tpu.core_type<tc>, window_params = [{transform_indices = @transform_0, window_bounds = array<i64: 4, 256, 1024>}, {transform_indices = @transform_1, window_bounds = array<i64: 1, 256, 1024>}, {transform_indices = @transform_2, window_bounds = array<i64: 4, 256, 1024>}]} {
    %get3A = arith.constant 0 : index
    %get3A_0 = arith.constant 0 : index
    %get3A_1 = arith.constant 0 : index
    %get3A_2 = vector.load %arg1[%get3A, %get3A_0, %get3A_1] : memref<4x256x1024xf32, #tpu.memory_space<vmem>>, vector<4x256x1024xf32>
    %get3A_3 = arith.constant 0 : index
    %get3A_4 = arith.constant 0 : index
    %get3A_5 = arith.constant 0 : index
    %get3A_6 = vector.load %arg2[%get3A_3, %get3A_4, %get3A_5] : memref<1x256x1024xf32, #tpu.memory_space<vmem>>, vector<1x256x1024xf32>
    %add3A = vector.broadcast %get3A_6 : vector<1x256x1024xf32> to vector<4x256x1024xf32>
    %add3A_7 = arith.addf %get3A_2, %add3A : vector<4x256x1024xf32>
    %swap3A = arith.constant 0 : index
    %swap3A_8 = arith.constant 0 : index
    %swap3A_9 = arith.constant 0 : index
    %swap3A_10 = vector.load %arg3[%swap3A, %swap3A_8, %swap3A_9] : memref<4x256x1024xf32, #tpu.memory_space<vmem>>, vector<4x256x1024xf32>
    tpu.vector_store %arg3[%swap3A, %swap3A_8, %swap3A_9], %add3A_7 {strides = array<i32>} : memref<4x256x1024xf32, #tpu.memory_space<vmem>>, vector<4x256x1024xf32>,
    return
  }
  func.func @transform_0(%arg0: i32) -> (i32, i32, i32) {
    %add3A = arith.constant 2 : i32
    %add3A_0 = arith.addi %arg0, %add3A : i32
    %c0_i32 = arith.constant 0 : i32
    %c0_i32_1 = arith.constant 0 : i32
    %c0_i32_2 = arith.constant 0 : i32
    return %c0_i32, %add3A_0, %c0_i32_1 : i32, i32, i32
  }
  func.func @transform_1(%arg0: i32) -> (i32, i32, i32) {
    %add3A = arith.constant 2 : i32
    %add3A_0 = arith.addi %arg0, %add3A : i32
    %c0_i32 = arith.constant 0 : i32
    %c0_i32_1 = arith.constant 0 : i32
    %c0_i32_2 = arith.constant 0 : i32
    return %c0_i32, %add3A_0, %c0_i32_1 : i32, i32, i32
  }
  func.func @transform_2(%arg0: i32) -> (i32, i32, i32) {
    %add3A = arith.constant 2 : i32
    %add3A_0 = arith.addi %arg0, %add3A : i32
    %c0_i32 = arith.constant 0 : i32
    %c0_i32_1 = arith.constant 0 : i32
    %c0_i32_2 = arith.constant 0 : i32
    return %c0_i32, %add3A_0, %c0_i32_1 : i32, i32, i32
  }
}

</mosaic_0001>

<sc_bundles>
// kernel: kernel.4.cloned.1.call-start
scs
__scs_entry_jumppad:
0x0: {  	(pc) =	sbr.rel $0x88, $3  }
0x1: {  	(tag) =	ssettag $0x0;
	lr =	simm.s32 $0x1  }
0x2: {  	[smem:$0x3F9F] =	sst lr;
	_ =	strace $0xD0000000  }
0x3: {  	_ = 	snop  }
0x4: {  	_ = 	snop  }
0x5: {  	_ = 	snop  }
0x6: {  	_ = 	snop  }
0x7: {  	_ = 	snop  }
__scs_overlays_trampoline_lowered:
0x8: {  	[smem:$0x3FAE] =	sst s0  }
0x9: {  	[smem:$0x3FAF] =	sst s1  }
0xa: {  	[smem:$0x3FB0] =	sst s2  }
0xb: {  	[smem:$0x3FB1] =	sst s3  }
0xc: {  	[smem:$0x3FB2] =	sst s4  }
0xd: {  	[smem:$0x3FB3] =	sst s5  }
0xe: {  	[smem:$0x3FB4] =	sst s6  }
0xf: {  	[smem:$0x3FB5] =	sst s7  }
0x10: {  	[smem:$0x3FB6] =	sst s8  }
0x11: {  	[smem:$0x3FB7] =	sst s9;
	s0 =	simm.s32 @!p0 $0x0  }
0x12: {  	s1 =	sld [smem:$0x3F9D];
	s0 =	simm.s32 @p0 $0x1  }
0x13: {  	[smem:$0x3FB8] =	sst s0;
	s0 =	simm.s32 @!p1 $0x0  }
0x14: {  	s2 =	sld [smem:$0x3F9C];
	s0 =	simm.s32 @p1 $0x1  }
0x15: {  	[smem:$0x3FB9] =	sst s0;
	s0 =	simm.s32 @!p2 $0x0  }
0x16: {  	s3 =	sld [smem:$0x3FDB];
	s0 =	simm.s32 @p2 $0x1  }
0x17: {  	s4 =	simm.s32 $0x1BF5;
	[smem:$0x3FBB] =	sst s0  }
0x18: {  	s0 =	sld [smem:$0x3F9E];
	_ =	swait.ge [sflag:s4], $0x0  }
0x19: {  	s7 =	sld [smem:$0x3F9F]  }
0x1a: {  	s8 =	sadd.s32 $0xFFFFE003, lr  }
0x1b: {  	s9 =	sadd.s32 $0xFFFFFEF7, lr;
	s5 =	simm.s32 $0xFFFFFFFF;
	p2 =	slt.u32 s8, $0xFFFFF086  }
0x1c: {  	p1 =	slt.u32 s9, $0xF7A;
	s5 =	simm.s32 @!p2 $0x0  }
0x1d: {  	s5 =	simm.s32 @p1 $0x1;
	p0 =	seq.s32 s7, s2  }
0x1e: {  	s7 =	smul.u32 @!p0 $0xF7A, s2;
	p2 =	seq.s32 @!p0 s5, $0x0  }
0x1f: {  	s9 =	smul.u32 $0xF7A, s1;
	s8 =	simm.s32 @!p0 $0x1BF5;
	p2 =	por !p2, p0  }
0x20: {  	[sflag:s8] =	ssyncset.s32 @!p0 $0xFFFFF086;
	s6 =	sadd.s32 @!p0 s3, s7;
	s7 =	simm.s32 @!p0 $0x108  }
0x21: {  	s3 =	sadd.s32 s3, s9;
	s6 =	sadd.s32 @!p0 $0x88, s6;
	s7 =	simm.s32 @p2 $0x1082  }
0x22: {  	[simem:s7], [sflag:s8] =	dma.local @!p0 [hbm:s6], $0xF7A  }
0x23: {  	s9 =	sor.u32 $0xD0000000, s2;
	s6 =	simm.s32 $0x108;
	_ =	swait.ge @!p0 [sflag:s8], $0x0  }
0x24: {  	s3 =	sadd.s32 $0x88, s3;
	s6 =	simm.s32 @!p1 $0x1082;
	[sflag:s4] =	ssyncset.s32 $0xFFFFF086  }
0x25: {  	[simem:s6], [sflag:s4] =	dma.local [hbm:s3], $0xF7A  }
0x26: {  	[smem:$0x3F9F] =	sst s1;
	(tag) =	ssettag s2;
	_ =	strace s9  }
0x27: {  	s1 =	sld [smem:$0x3FAF]  }
0x28: {  	s2 =	sld [smem:$0x3FB0]  }
0x29: {  	s4 =	sld [smem:$0x3FB2]  }
0x2a: {  	p0 =	seq.s32 s5, $0x0;
	s5 =	sld [smem:$0x3FB3]  }
0x2b: {  	s6 =	sld [smem:$0x3FB4]  }
0x2c: {  	s7 =	sld [smem:$0x3FB5]  }
0x2d: {  	s3 =	simm.s32 $0x108;
	s8 =	sld [smem:$0x3FB6]  }
0x2e: {  	s3 =	simm.s32 @!p0 $0x1082;
	s9 =	sld [smem:$0x3FB7]  }
0x2f: {  	lr =	sadd.s32 s0, s3;
	s0 =	sld [smem:$0x3FAE]  }
0x30: {  	s3 =	sld [smem:$0x3FB1]  }
0x31: {  	[smem:$0x3FBA] =	sst s10  }
0x32: {  	s10 =	sld [smem:$0x3FB8];
	_ =	sdelay $0x3  }
0x33: {  	p0 =	seq.s32 s10, $0x1;
	s10 =	sld [smem:$0x3FBA];
	_ =	sdelay $0x3  }
0x34: {  	[smem:$0x3FBA] =	sst s10  }
0x35: {  	s10 =	sld [smem:$0x3FB9];
	_ =	sdelay $0x3  }
0x36: {  	p1 =	seq.s32 s10, $0x1;
	s10 =	sld [smem:$0x3FBA];
	_ =	sdelay $0x3  }
0x37: {  	[smem:$0x3FBA] =	sst s10  }
0x38: {  	s10 =	sld [smem:$0x3FBB]  }
0x39: {  	_ = 	snop;
	(pc) =	sbr.ind lr, $3  }
0x3a: {  	_ = 	snop  }
0x3b: {  	_ = 	snop  }
0x3c: {  	p2 =	seq.s32 s10, $0x1;
	s10 =	sld [smem:$0x3FBA]  }
0x3d: {  	_ =	shalt  }
0x3e: {  	_ =	shalt  }
0x3f: {  	_ =	shalt  }
0x40: {  	_ =	shalt  }
0x41: {  	_ =	shalt  }
0x42: {  	_ =	shalt  }
0x43: {  	_ =	shalt  }
0x44: {  	_ =	shalt  }
0x45: {  	_ =	shalt  }
0x46: {  	_ =	shalt  }
0x47: {  	_ =	shalt  }
0x48: {  	_ =	shalt  }
0x49: {  	_ =	shalt  }
0x4a: {  	_ =	shalt  }
0x4b: {  	_ =	shalt  }
0x4c: {  	_ =	shalt  }
0x4d: {  	_ =	shalt  }
0x4e: {  	_ =	shalt  }
0x4f: {  	_ =	shalt  }
0x50: {  	_ =	shalt  }
0x51: {  	_ =	shalt  }
0x52: {  	_ =	shalt  }
0x53: {  	_ =	shalt  }
0x54: {  	_ =	shalt  }
0x55: {  	_ =	shalt  }
0x56: {  	_ =	shalt  }
0x57: {  	_ =	shalt  }
0x58: {  	_ =	shalt  }
0x59: {  	_ =	shalt  }
0x5a: {  	_ =	shalt  }
0x5b: {  	_ =	shalt  }
0x5c: {  	_ =	shalt  }
0x5d: {  	_ =	shalt  }
0x5e: {  	_ =	shalt  }
0x5f: {  	_ =	shalt  }
0x60: {  	_ =	shalt  }
0x61: {  	_ =	shalt  }
0x62: {  	_ =	shalt  }
0x63: {  	_ =	shalt  }
0x64: {  	_ =	shalt  }
0x65: {  	_ =	shalt  }
0x66: {  	_ =	shalt  }
0x67: {  	_ =	shalt  }
0x68: {  	_ =	shalt  }
0x69: {  	_ =	shalt  }
0x6a: {  	_ =	shalt  }
0x6b: {  	_ =	shalt  }
0x6c: {  	_ =	shalt  }
0x6d: {  	_ =	shalt  }
0x6e: {  	_ =	shalt  }
0x6f: {  	_ =	shalt  }
0x70: {  	_ =	shalt  }
0x71: {  	_ =	shalt  }
0x72: {  	_ =	shalt  }
0x73: {  	_ =	shalt  }
0x74: {  	_ =	shalt  }
0x75: {  	_ =	shalt  }
0x76: {  	_ =	shalt  }
0x77: {  	_ =	shalt  }
0x78: {  	_ =	shalt  }
0x79: {  	_ =	shalt  }
0x7a: {  	_ =	shalt  }
0x7b: {  	_ =	shalt  }
0x7c: {  	_ =	shalt  }
0x7d: {  	_ =	shalt  }
0x7e: {  	_ =	shalt  }
0x7f: {  	_ =	shalt  }
0x80: {  	_ =	shalt  }
0x81: {  	_ =	shalt  }
0x82: {  	_ =	shalt  }
0x83: {  	_ =	shalt  }
0x84: {  	_ =	shalt  }
0x85: {  	_ =	shalt  }
0x86: {  	_ =	shalt  }
0x87: {  	_ =	shalt  }
.Lfunc_end0:
.L_simem_size_0:
called_computation_lowered:
.L_overlay_start_0:
0x88: {  	s2 =	sld [smem:$0x3FD9]  }
0x89: {  	s3 =	sld [smem:$0x3FFE];
	_ =	sdelay $0x1  }
0x8a: {  	s1 =	srdreg.scid  }
0x8b: {  	s0 =	sand.u32 $0x1, s1  }
0x8c: {  	s17 =	sshll.u32 s0, $0xA;
	s2 =	sadd.s32 s3, s2  }
0x8d: {  	s2 =	sadd.s32 s2, s17  }
0x8e: {  	[smem:$0x3FC6] =	sst s2  }
0x8f: {  	_ = 	snop  }
0x90: {  	s2 =	sld [smem:$0x3FC9]  }
0x91: {  	s18 =	sld [smem:$0x3FC8];
	(tm) =	ssettm $0x1  }
0x92: {  	s4 =	sld [smem:$0x3FFB];
	_ =	sdelay $0x3  }
0x93: {  	_ =	strace s4  }
0x94: {  	s4 =	sld [smem:$0x3FFC];
	_ =	sdelay $0x3  }
0x95: {  	_ =	strace s4  }
0x96: {  	s4 =	sld [smem:$0x3FFD];
	_ =	sdelay $0x3  }
0x97: {  	_ =	strace s4  }
0x98: {  	_ =	strace $0x8FFFFFFF  }
0x99: {  	s19 =	sld [smem:$0x3FDB];
	_ =	sdelay $0x1  }
0x9a: {  	s5 =	simm.s32 $_scs_section_size  }
0x9b: {  	s6 =	simm.s32 $_size__tile_overlayer_lowered;
	s7 =	simm.s32 $_tile_overlayer_lowered  }
0x9c: {  	s22 =	simm.s32 $0x1BFF;
	s21 =	sshll.u32 s7, $0x1;
	s4 =	sadd.s32 s5, s19  }
0x9d: {  	s8 =	simm.s32 $0x0;
	s20 =	sshll.u32 s6, $0x1;
	s6 =	sadd.s32 s21, s4  }
0x9e: {  	[timem:s8], [sflag:s22] =	dma.local [hbm:s6], s20  }
0x9f: {  	_ =	swait.ge [sflag:s22], s20  }
0xa0: {  	s5 =	ssub.s32 $0x0, s20;
	[sflag:s22] =	ssyncset.done $0x0  }
0xa1: {  	[sflag:s22] =	ssyncadd.s32 s5;
	_ =	sdelay $0x1  }
0xa2: {  	s23 =	simm.s32 $0x1B8B  }
0xa3: {  	_ =	swait.ge [sflag:s23], $0x1  }
0xa4: {  	[sflag:s23] =	ssyncset.done $0x0  }
0xa5: {  	s25 =	simm.s32 $0x1B8E;
	s24 =	sld [smem:$0x3FFE];
	[sflag:s23] =	ssyncadd.s32 $0xFFFFFFFF  }
0xa6: {  	s26 =	simm.s32 $execute0_lowered;
	[smem:$0x3FD2] =	sst s25  }
0xa7: {  	s6 =	sshll.u32 s26, $0x1;
	_ =	strace $0x80000046;
	[dreg:$0x1] =	wrdreg $0xFFFFFFFF  }
0xa8: {  	s28 =	simm.s32 $_size_execute0_lowered;
	s4 =	sadd.s32 s4, s6;
	[dreg:$0x0] =	wrdreg $0x0  }
0xa9: {  	s6 =	sshll.u32 s28, $0x1;
	[dreg:$0x2] =	wrdreg s4  }
0xaa: {  	[dreg:$0x3] =	wrdreg s6  }
0xab: {  	[dreg:$0x4] =	wrdreg $0xC0  }
0xac: {  	_ =	task [dreg:s8], $0x5FFFF  }
0xad: {  	[dreg:$0x1] =	wrdreg $0xFFFFFFFF  }
0xae: {  	[dreg:$0x0] =	wrdreg $0x60  }
0xaf: {  	[dreg:$0x2] =	wrdreg s2  }
0xb0: {  	[dreg:$0x3] =	wrdreg s18  }
0xb1: {  	[dreg:$0x4] =	wrdreg s24  }
0xb2: {  	[dreg:$0x5] =	wrdreg $0x9  }
0xb3: {  	_ =	task.clear_ibuf [dreg:s8], $0x6FFFF;
	_ =	strace $0x90000046  }
0xb4: {  	s29 =	simm.s32 $0x9;
	_ =	strace $0x80000048  }
0xb5: {  	_ =	swait.ge [sflag:s29], $0x1  }
0xb6: {  	[sflag:s29] =	ssyncadd.s32 $0xFFFFFFFF  }
0xb7: {  	_ =	strace $0x90000048  }
0xb8: {  	_ =	sfence  }
0xb9: {  	s30 =	sld [smem:$0x0];
	_ =	sdelay $0x2  }
0xba: {  	s31 =	sshll.u32 s1, $0xD;
	s1 =	sshrl.u32 s1, $0x2  }
0xbb: {  	s3 =	sand.u32 $0x4000, s31;
	s1 =	sadd.s32 s1, s30  }
0xbc: {  	s0 =	sor.u32 s3, s0;
	s1 =	sshll.u32 s1, $0x11  }
0xbd: {  	s0 =	sor.u32 s1, s0  }
0xbe: {  	s0 =	sadd.s32 $0x8F2B, s0  }
0xbf: {  	[sflag:s0] =	ssyncadd.remote.s32 $0x1  }
0xc0: {  	_ =	sfence.sel $0xFFFF  }
0xc1: {  	[dreg:$0x0] =	wrdreg $0xFFFFFFFF;
	(pc) =	sbr.abs _section_cstart, $3  }
0xc2: {  	[dreg:$0x1] =	wrdreg $0xFFFFFFFF  }
0xc3: {  	_ =	task.clear_ibuf [dreg:s8], $0x2FFFF;
	_ =	strace $0x9FFFFFFF  }
0xc4: {  	(tm) =	ssettm $0x7FFFFFFF  }
0xc5: {  	_ =	shalt  }
tec
execute0_lowered:
.L_overlay_start_1:
0x0: {  	(tag) =	ssettag $0x1  }
0x1: {  	s3 =	rddreg [dreg:$0x0]  }
0x2: {  	s4 =	rddreg [dreg:$0x1]  }
0x3: {  	s5 =	rddreg [dreg:$0x2];
	s6 =	srdreg.scid;
	s2 =	simm.s32 $0x0  }
0x4: {  	s0 =	stileid.u32;
	s13 =	simm.s32 $0x4000;
	s6 =	sand.u32 $0x1, s6  }
0x5: {  	s15 =	simm.s32 $0x1;
	s7 =	sshll.u32 s0, $0xC;
	s8 =	sshll.u32 s6, $0xB  }
0x6: {  	s17 =	simm.s32 $0x2;
	s18 =	simm.s32 $0x5;
	s7 =	sor.u32 s8, s7  }
0x7: {  	[smem:$0x7FF] =	sst s2;
	s3 =	sadd.s32 s3, s7;
	s22 =	sadd.s32 s4, s7  }
0x8: {  	_ =	strace $0x80000047;
	[dreg:$0x4] =	wrdreg s22;
	s23 =	sadd.s32 $0x40000, s3  }
0x9: {  	s11 =	sadd.s32 s7, s5;
	s24 =	sadd.s32 $0x80000, s3;
	[dreg:$0x5] =	wrdreg s23  }
0xa: {  	s19 =	simm.s32 $0x3;
	s25 =	sadd.s32 $0x600, s11;
	[dreg:$0x6] =	wrdreg s24  }
0xb: {  	s20 =	simm.s32 $0x4;
	s26 =	sadd.s32 $0xC0000, s3;
	[dreg:$0x7] =	wrdreg s25  }
0xc: {  	s6 =	ssub.s32 $0x2, s6;
	s28 =	sadd.s32 $0x10600, s11;
	[dreg:$0x8] =	wrdreg s26  }
0xd: {  	s21 =	sshrl.u32 s6, $0x1;
	s29 =	sadd.s32 $0x20600, s11;
	[dreg:$0x9] =	wrdreg s28  }
0xe: {  	s12 =	ssub.s32 s6, s21;
	s30 =	sadd.s32 $0x30600, s11;
	[dreg:$0xa] =	wrdreg s29  }
0xf: {  	s21 =	simm.s32 $0x6;
	s31 =	smax.u32 s12, $0x1;
	[dreg:$0xb] =	wrdreg s30  }
0x10: {  	s22 =	simm.s32 $0x7;
	[dreg:$0xc] =	wrdreg s31;
	s23 =	simm.s32 $0x0  }
.LBB2_1:
0x11: {  	s0 =	rddreg [dreg:$0x4]  }
0x12: {  	[tilespmem:s2], [sflag:$0x1] =	stream.linear.gather [hbm4b:s0+s2], $0x4000, $0x38;
	[tilespmem:$0x10000] =	vst v63  }
0x13: {  	_ = 	snop  }
0x14: {  	[tilespmem:s13], [sflag:$0x2] =	stream.linear.gather [hbm4b:s3+s2], $0x4000, $0x38;
	[tilespmem:$0x10000] =	vst v63  }
0x15: {  	s5 =	rddreg [dreg:$0x5];
	s1 =	simm.s32 $0x8000  }
0x16: {  	[tilespmem:s1], [sflag:$0x3] =	stream.linear.gather [hbm4b:s5+s2], $0x4000, $0x38;
	[tilespmem:$0x10000] =	vst v63  }
0x17: {  	_ =	swait.ge [sflag:s15], $0x4000  }
0x18: {  	s7 =	simm.s32 $0xC000;
	[sflag:s15] =	ssyncset.done $0x0  }
0x19: {  	s24 =	simm.s32 $0x0;
	s6 =	rddreg [dreg:$0x6];
	[sflag:s15] =	ssyncadd.s32 $0xFFFFC000  }
0x1a: {  	[tilespmem:s7], [sflag:$0x4] =	stream.linear.gather [hbm4b:s6+s2], $0x4000, $0x38;
	[tilespmem:$0x10000] =	vst v63  }
0x1b: {  	s26 =	sand.u32 $0x1800, s2;
	s25 =	sand.u32 $0x2000, s24;
	_ =	swait.ge [sflag:s17], $0x4000  }
0x1c: {  	s8 =	sand.u32 $0x380, s2;
	s25 =	sor.u32 s25, s26;
	[sflag:s17] =	ssyncset.done $0x0  }
0x1d: {  	s25 =	sor.u32 s8, s25;
	[sflag:s17] =	ssyncadd.s32 $0xFFFFC000  }
0x1e: {  	v0 =	vld [tilespmem:s25+$0x470]  }
0x1f: {  	v4 =	vld [tilespmem:s25+$0x0]  }
0x20: {  	v5 =	vld [tilespmem:s25+$0x10]  }
0x21: {  	v6 =	vld [tilespmem:s25+$0x20]  }
0x22: {  	v7 =	vld [tilespmem:s25+$0x30]  }
0x23: {  	v8 =	vld [tilespmem:s25+$0x40]  }
0x24: {  	v9 =	vld [tilespmem:s25+$0x50]  }
0x25: {  	v10 =	vld [tilespmem:s25+$0x60]  }
0x26: {  	v11 =	vld [tilespmem:s25+$0x70]  }
0x27: {  	v12 =	vld [tilespmem:s25+$0x400]  }
0x28: {  	v13 =	vld [tilespmem:s25+$0x410]  }
0x29: {  	v14 =	vld [tilespmem:s25+$0x420]  }
0x2a: {  	v3 =	vld [tilespmem:s25+$0x430]  }
0x2b: {  	v2 =	vld [tilespmem:s25+$0x440]  }
0x2c: {  	s26 =	sor.u32 $0x4470, s25;
	v1 =	vld [tilespmem:s25+$0x460]  }
0x2d: {  	[tilespmem:s26+$0x0] =	vst.add.f32.msk $0xffff, v0  }
0x2e: {  	s9 =	sor.u32 $0x4000, s25;
	v0 =	vld [tilespmem:s25+$0x450]  }
0x2f: {  	s28 =	sor.u32 $0x4010, s25;
	[tilespmem:s9+$0x0] =	vst.add.f32.msk $0xffff, v4  }
0x30: {  	s10 =	sor.u32 $0x4020, s25;
	[tilespmem:s28+$0x0] =	vst.add.f32.msk $0xffff, v5  }
0x31: {  	s11 =	sor.u32 $0x4040, s25;
	[tilespmem:s10+$0x0] =	vst.add.f32.msk $0xffff, v6  }
0x32: {  	s12 =	sor.u32 $0x4060, s25;
	[tilespmem:s11+$0x0] =	vst.add.f32.msk $0xffff, v8  }
0x33: {  	s14 =	sor.u32 $0x4400, s25;
	[tilespmem:s12+$0x0] =	vst.add.f32.msk $0xffff, v10  }
0x34: {  	s29 =	sor.u32 $0x4410, s25;
	[tilespmem:s14+$0x0] =	vst.add.f32.msk $0xffff, v12  }
0x35: {  	s16 =	sor.u32 $0x4420, s25;
	[tilespmem:s29+$0x0] =	vst.add.f32.msk $0xffff, v13  }
0x36: {  	s28 =	sor.u32 $0x4030, s25;
	[tilespmem:s16+$0x0] =	vst.add.f32.msk $0xffff, v14  }
0x37: {  	s31 =	sor.u32 $0x4430, s25;
	[tilespmem:s28+$0x0] =	vst.add.f32.msk $0xffff, v7;
	s28 =	sor.u32 $0x4050, s25  }
0x38: {  	s30 =	sor.u32 $0x4440, s25;
	s29 =	sor.u32 $0x4460, s25;
	[tilespmem:s28+$0x0] =	vst.add.f32.msk $0xffff, v9;
	s28 =	sor.u32 $0x4070, s25  }
0x39: {  	s26 =	simm.s32 $0x0;
	[tilespmem:s28+$0x0] =	vst.add.f32.msk $0xffff, v11;
	s28 =	sor.u32 $0x4450, s25;
	s25 =	simm.s32 $0x0  }
.LBB2_2:
0x3a: {  	s24 =	sadd.s32 $0x100, s24;
	[tilespmem:s31+$0x0] =	vst.add.f32.msk $0xffff, v3;
	s25 =	sadd.s32 $0x800, s25  }
0x3b: {  	s26 =	sadd.s32 $0x20, s26;
	s0 =	sand.u32 $0x2000, s24;
	s31 =	sand.u32 $0x1800, s25;
	[tilespmem:s30+$0x0] =	vst.add.f32.msk $0xffff, v2  }
0x3c: {  	s30 =	sand.u32 $0x380, s26;
	p0 =	slt.u32 s24, $0x3F00;
	s0 =	sor.u32 s0, s31;
	[tilespmem:s28+$0x0] =	vst.add.f32.msk $0xffff, v0  }
0x3d: {  	s0 =	sor.u32 s30, s0;
	[tilespmem:s29+$0x0] =	vst.add.f32.msk $0xffff, v1  }
0x3e: {  	s1 =	sor.u32 $0x4000, s0;
	s14 =	sor.u32 $0x4010, s0;
	s4 =	sor.u32 $0x4020, s0;
	v0 =	vld [tilespmem:s0+$0x470]  }
0x3f: {  	s5 =	sor.u32 $0x4030, s0;
	s16 =	sor.u32 $0x4040, s0;
	s6 =	sor.u32 $0x4050, s0;
	v4 =	vld [tilespmem:s0+$0x0]  }
0x40: {  	s7 =	sor.u32 $0x4060, s0;
	s8 =	sor.u32 $0x4070, s0;
	s9 =	sor.u32 $0x4400, s0;
	v5 =	vld [tilespmem:s0+$0x10]  }
0x41: {  	s10 =	sor.u32 $0x4410, s0;
	s11 =	sor.u32 $0x4420, s0;
	s31 =	sor.u32 $0x4430, s0;
	v6 =	vld [tilespmem:s0+$0x20]  }
0x42: {  	s30 =	sor.u32 $0x4440, s0;
	s28 =	sor.u32 $0x4450, s0;
	s12 =	sor.u32 $0x4470, s0;
	v7 =	vld [tilespmem:s0+$0x30]  }
0x43: {  	s29 =	sor.u32 $0x4460, s0;
	[tilespmem:s12+$0x0] =	vst.add.f32.msk $0xffff, v0  }
0x44: {  	v8 =	vld [tilespmem:s0+$0x40]  }
0x45: {  	v9 =	vld [tilespmem:s0+$0x50]  }
0x46: {  	v10 =	vld [tilespmem:s0+$0x60]  }
0x47: {  	v11 =	vld [tilespmem:s0+$0x70]  }
0x48: {  	v12 =	vld [tilespmem:s0+$0x400]  }
0x49: {  	v13 =	vld [tilespmem:s0+$0x410]  }
0x4a: {  	v14 =	vld [tilespmem:s0+$0x420]  }
0x4b: {  	v3 =	vld [tilespmem:s0+$0x430]  }
0x4c: {  	v2 =	vld [tilespmem:s0+$0x440]  }
0x4d: {  	v0 =	vld [tilespmem:s0+$0x450]  }
0x4e: {  	v1 =	vld [tilespmem:s0+$0x460]  }
0x4f: {  	[tilespmem:s1+$0x0] =	vst.add.f32.msk $0xffff, v4  }
0x50: {  	[tilespmem:s14+$0x0] =	vst.add.f32.msk $0xffff, v5  }
0x51: {  	[tilespmem:s4+$0x0] =	vst.add.f32.msk $0xffff, v6  }
0x52: {  	[tilespmem:s5+$0x0] =	vst.add.f32.msk $0xffff, v7  }
0x53: {  	[tilespmem:s16+$0x0] =	vst.add.f32.msk $0xffff, v8  }
0x54: {  	[tilespmem:s6+$0x0] =	vst.add.f32.msk $0xffff, v9  }
.Ltmp0:
0x55: {  	[tilespmem:s7+$0x0] =	vst.add.f32.msk $0xffff, v10;
	(pc) =	sbr.rel @p0 .LBB2_2-.Ltmp0, $4  }
0x56: {  	[tilespmem:s8+$0x0] =	vst.add.f32.msk $0xffff, v11  }
0x57: {  	[tilespmem:s9+$0x0] =	vst.add.f32.msk $0xffff, v12  }
0x58: {  	[tilespmem:s10+$0x0] =	vst.add.f32.msk $0xffff, v13  }
0x59: {  	[tilespmem:s11+$0x0] =	vst.add.f32.msk $0xffff, v14  }
0x5a: {  	[tilespmem:s31+$0x0] =	vst.add.f32.msk $0xffff, v3  }
0x5b: {  	[tilespmem:s30+$0x0] =	vst.add.f32.msk $0xffff, v2  }
0x5c: {  	[tilespmem:s28+$0x0] =	vst.add.f32.msk $0xffff, v0  }
0x5d: {  	[tilespmem:s29+$0x0] =	vst.add.f32.msk $0xffff, v1  }
0x5e: {  	s24 =	simm.s32 $0x0;
	s0 =	rddreg [dreg:$0x7]  }
0x5f: {  	[hbm4b:s0+s24] =	stream.linear.scatter [tilespmem:s13], [sflag:$0x5], $0x4000, $0x38;
	[tilespmem:$0x10000] =	vst v63  }
0x60: {  	_ =	swait.ge [sflag:s18], $0x4000  }
0x61: {  	[sflag:s18] =	ssyncset.done $0x0  }
0x62: {  	s25 =	simm.s32 $0x0;
	s1 =	rddreg [dreg:$0x8];
	[sflag:s18] =	ssyncadd.s32 $0xFFFFC000  }
0x63: {  	[tilespmem:s13], [sflag:$0x2] =	stream.linear.gather [hbm4b:s1+s24], $0x4000, $0x38;
	[tilespmem:$0x10000] =	vst v63  }
0x64: {  	s4 =	sand.u32 $0x2000, s25;
	s1 =	sand.u32 $0x1800, s24;
	_ =	swait.ge [sflag:s19], $0x4000  }
0x65: {  	s5 =	sand.u32 $0x380, s24;
	s0 =	sor.u32 s4, s1;
	[sflag:s19] =	ssyncset.done $0x0  }
0x66: {  	s0 =	sor.u32 s5, s0;
	[sflag:s19] =	ssyncadd.s32 $0xFFFFC000  }
0x67: {  	v0 =	vld [tilespmem:s0+$0x470]  }
0x68: {  	v4 =	vld [tilespmem:s0+$0x0]  }
0x69: {  	v5 =	vld [tilespmem:s0+$0x10]  }
0x6a: {  	v6 =	vld [tilespmem:s0+$0x20]  }
0x6b: {  	v7 =	vld [tilespmem:s0+$0x30]  }
0x6c: {  	v8 =	vld [tilespmem:s0+$0x40]  }
0x6d: {  	v9 =	vld [tilespmem:s0+$0x50]  }
0x6e: {  	v10 =	vld [tilespmem:s0+$0x60]  }
0x6f: {  	v11 =	vld [tilespmem:s0+$0x70]  }
0x70: {  	v12 =	vld [tilespmem:s0+$0x400]  }
0x71: {  	v13 =	vld [tilespmem:s0+$0x410]  }
0x72: {  	v14 =	vld [tilespmem:s0+$0x420]  }
0x73: {  	v3 =	vld [tilespmem:s0+$0x430]  }
0x74: {  	v2 =	vld [tilespmem:s0+$0x440]  }
0x75: {  	s1 =	sor.u32 $0x8470, s0;
	v1 =	vld [tilespmem:s0+$0x460]  }
0x76: {  	[tilespmem:s1+$0x0] =	vst.add.f32.msk $0xffff, v0  }
0x77: {  	s6 =	sor.u32 $0x8000, s0;
	v0 =	vld [tilespmem:s0+$0x450]  }
0x78: {  	s4 =	sor.u32 $0x8010, s0;
	[tilespmem:s6+$0x0] =	vst.add.f32.msk $0xffff, v4  }
0x79: {  	s7 =	sor.u32 $0x8020, s0;
	[tilespmem:s4+$0x0] =	vst.add.f32.msk $0xffff, v5  }
0x7a: {  	s8 =	sor.u32 $0x8030, s0;
	[tilespmem:s7+$0x0] =	vst.add.f32.msk $0xffff, v6  }
0x7b: {  	s9 =	sor.u32 $0x8040, s0;
	[tilespmem:s8+$0x0] =	vst.add.f32.msk $0xffff, v7  }
0x7c: {  	s10 =	sor.u32 $0x8050, s0;
	[tilespmem:s9+$0x0] =	vst.add.f32.msk $0xffff, v8  }
0x7d: {  	s11 =	sor.u32 $0x8060, s0;
	[tilespmem:s10+$0x0] =	vst.add.f32.msk $0xffff, v9  }
0x7e: {  	s12 =	sor.u32 $0x8070, s0;
	[tilespmem:s11+$0x0] =	vst.add.f32.msk $0xffff, v10  }
0x7f: {  	s14 =	sor.u32 $0x8400, s0;
	[tilespmem:s12+$0x0] =	vst.add.f32.msk $0xffff, v11  }
0x80: {  	s16 =	sor.u32 $0x8410, s0;
	[tilespmem:s14+$0x0] =	vst.add.f32.msk $0xffff, v12  }
0x81: {  	s26 =	sor.u32 $0x8420, s0;
	s31 =	sor.u32 $0x8430, s0;
	s30 =	sor.u32 $0x8440, s0;
	[tilespmem:s16+$0x0] =	vst.add.f32.msk $0xffff, v13  }
0x82: {  	s28 =	sor.u32 $0x8450, s0;
	s29 =	sor.u32 $0x8460, s0;
	[tilespmem:s26+$0x0] =	vst.add.f32.msk $0xffff, v14;
	s26 =	simm.s32 $0x0  }
.LBB2_4:
0x83: {  	s25 =	sadd.s32 $0x100, s25;
	[tilespmem:s31+$0x0] =	vst.add.f32.msk $0xffff, v3;
	s24 =	sadd.s32 $0x800, s24  }
0x84: {  	s26 =	sadd.s32 $0x20, s26;
	s0 =	sand.u32 $0x2000, s25;
	s1 =	sand.u32 $0x1800, s24;
	[tilespmem:s30+$0x0] =	vst.add.f32.msk $0xffff, v2  }
0x85: {  	p0 =	slt.u32 s25, $0x3F00;
	s0 =	sor.u32 s0, s1;
	s1 =	sand.u32 $0x380, s26;
	[tilespmem:s28+$0x0] =	vst.add.f32.msk $0xffff, v0  }
0x86: {  	s0 =	sor.u32 s1, s0;
	[tilespmem:s29+$0x0] =	vst.add.f32.msk $0xffff, v1  }
0x87: {  	s1 =	sor.u32 $0x8000, s0;
	s4 =	sor.u32 $0x8010, s0;
	s5 =	sor.u32 $0x8020, s0;
	v0 =	vld [tilespmem:s0+$0x470]  }
0x88: {  	s6 =	sor.u32 $0x8030, s0;
	s7 =	sor.u32 $0x8040, s0;
	s8 =	sor.u32 $0x8050, s0;
	v4 =	vld [tilespmem:s0+$0x0]  }
0x89: {  	s9 =	sor.u32 $0x8060, s0;
	s10 =	sor.u32 $0x8070, s0;
	s11 =	sor.u32 $0x8400, s0;
	v5 =	vld [tilespmem:s0+$0x10]  }
0x8a: {  	s12 =	sor.u32 $0x8410, s0;
	s14 =	sor.u32 $0x8420, s0;
	s31 =	sor.u32 $0x8430, s0;
	v6 =	vld [tilespmem:s0+$0x20]  }
0x8b: {  	s30 =	sor.u32 $0x8440, s0;
	s28 =	sor.u32 $0x8450, s0;
	s16 =	sor.u32 $0x8470, s0;
	v7 =	vld [tilespmem:s0+$0x30]  }
0x8c: {  	s29 =	sor.u32 $0x8460, s0;
	[tilespmem:s16+$0x0] =	vst.add.f32.msk $0xffff, v0  }
0x8d: {  	v8 =	vld [tilespmem:s0+$0x40]  }
0x8e: {  	v9 =	vld [tilespmem:s0+$0x50]  }
0x8f: {  	v10 =	vld [tilespmem:s0+$0x60]  }
0x90: {  	v11 =	vld [tilespmem:s0+$0x70]  }
0x91: {  	v12 =	vld [tilespmem:s0+$0x400]  }
0x92: {  	v13 =	vld [tilespmem:s0+$0x410]  }
0x93: {  	v14 =	vld [tilespmem:s0+$0x420]  }
0x94: {  	v3 =	vld [tilespmem:s0+$0x430]  }
0x95: {  	v2 =	vld [tilespmem:s0+$0x440]  }
0x96: {  	v0 =	vld [tilespmem:s0+$0x450]  }
0x97: {  	v1 =	vld [tilespmem:s0+$0x460]  }
0x98: {  	[tilespmem:s1+$0x0] =	vst.add.f32.msk $0xffff, v4  }
0x99: {  	[tilespmem:s4+$0x0] =	vst.add.f32.msk $0xffff, v5  }
0x9a: {  	[tilespmem:s5+$0x0] =	vst.add.f32.msk $0xffff, v6  }
0x9b: {  	[tilespmem:s6+$0x0] =	vst.add.f32.msk $0xffff, v7  }
0x9c: {  	[tilespmem:s7+$0x0] =	vst.add.f32.msk $0xffff, v8  }
0x9d: {  	[tilespmem:s8+$0x0] =	vst.add.f32.msk $0xffff, v9  }
.Ltmp1:
0x9e: {  	[tilespmem:s9+$0x0] =	vst.add.f32.msk $0xffff, v10;
	(pc) =	sbr.rel @p0 .LBB2_4-.Ltmp1, $4  }
0x9f: {  	[tilespmem:s10+$0x0] =	vst.add.f32.msk $0xffff, v11  }
0xa0: {  	[tilespmem:s11+$0x0] =	vst.add.f32.msk $0xffff, v12  }
0xa1: {  	[tilespmem:s12+$0x0] =	vst.add.f32.msk $0xffff, v13  }
0xa2: {  	[tilespmem:s14+$0x0] =	vst.add.f32.msk $0xffff, v14  }
0xa3: {  	[tilespmem:s31+$0x0] =	vst.add.f32.msk $0xffff, v3  }
0xa4: {  	[tilespmem:s30+$0x0] =	vst.add.f32.msk $0xffff, v2  }
0xa5: {  	[tilespmem:s28+$0x0] =	vst.add.f32.msk $0xffff, v0  }
0xa6: {  	[tilespmem:s29+$0x0] =	vst.add.f32.msk $0xffff, v1;
	s24 =	simm.s32 $0x0  }
0xa7: {  	s1 =	simm.s32 $0x8000;
	s25 =	simm.s32 $0x0;
	s0 =	rddreg [dreg:$0x9]  }
0xa8: {  	[hbm4b:s0+s24] =	stream.linear.scatter [tilespmem:s1], [sflag:$0x6], $0x4000, $0x38;
	[tilespmem:$0x10000] =	vst v63  }
0xa9: {  	s4 =	sand.u32 $0x1800, s24;
	s1 =	sand.u32 $0x2000, s25;
	_ =	swait.ge [sflag:s20], $0x4000  }
0xaa: {  	s5 =	sand.u32 $0x380, s24;
	s0 =	sor.u32 s1, s4;
	[sflag:s20] =	ssyncset.done $0x0  }
0xab: {  	s0 =	sor.u32 s5, s0;
	[sflag:s20] =	ssyncadd.s32 $0xFFFFC000  }
0xac: {  	v0 =	vld [tilespmem:s0+$0x470]  }
0xad: {  	v4 =	vld [tilespmem:s0+$0x0]  }
0xae: {  	v5 =	vld [tilespmem:s0+$0x10]  }
0xaf: {  	v6 =	vld [tilespmem:s0+$0x20]  }
0xb0: {  	v7 =	vld [tilespmem:s0+$0x30]  }
0xb1: {  	v8 =	vld [tilespmem:s0+$0x40]  }
0xb2: {  	v9 =	vld [tilespmem:s0+$0x50]  }
0xb3: {  	v10 =	vld [tilespmem:s0+$0x60]  }
0xb4: {  	v11 =	vld [tilespmem:s0+$0x70]  }
0xb5: {  	v12 =	vld [tilespmem:s0+$0x400]  }
0xb6: {  	v13 =	vld [tilespmem:s0+$0x410]  }
0xb7: {  	v14 =	vld [tilespmem:s0+$0x420]  }
0xb8: {  	v3 =	vld [tilespmem:s0+$0x430]  }
0xb9: {  	v2 =	vld [tilespmem:s0+$0x440]  }
0xba: {  	s1 =	sor.u32 $0xC470, s0;
	v1 =	vld [tilespmem:s0+$0x460]  }
0xbb: {  	[tilespmem:s1+$0x0] =	vst.add.f32.msk $0xffff, v0  }
0xbc: {  	s6 =	sor.u32 $0xC000, s0;
	v0 =	vld [tilespmem:s0+$0x450]  }
0xbd: {  	s4 =	sor.u32 $0xC010, s0;
	[tilespmem:s6+$0x0] =	vst.add.f32.msk $0xffff, v4  }
0xbe: {  	s7 =	sor.u32 $0xC020, s0;
	[tilespmem:s4+$0x0] =	vst.add.f32.msk $0xffff, v5  }
0xbf: {  	s8 =	sor.u32 $0xC030, s0;
	[tilespmem:s7+$0x0] =	vst.add.f32.msk $0xffff, v6  }
0xc0: {  	s9 =	sor.u32 $0xC040, s0;
	[tilespmem:s8+$0x0] =	vst.add.f32.msk $0xffff, v7  }
0xc1: {  	s10 =	sor.u32 $0xC050, s0;
	[tilespmem:s9+$0x0] =	vst.add.f32.msk $0xffff, v8  }
0xc2: {  	s11 =	sor.u32 $0xC060, s0;
	[tilespmem:s10+$0x0] =	vst.add.f32.msk $0xffff, v9  }
0xc3: {  	s12 =	sor.u32 $0xC070, s0;
	[tilespmem:s11+$0x0] =	vst.add.f32.msk $0xffff, v10  }
0xc4: {  	s14 =	sor.u32 $0xC400, s0;
	[tilespmem:s12+$0x0] =	vst.add.f32.msk $0xffff, v11  }
0xc5: {  	s16 =	sor.u32 $0xC410, s0;
	[tilespmem:s14+$0x0] =	vst.add.f32.msk $0xffff, v12  }
0xc6: {  	s26 =	sor.u32 $0xC420, s0;
	s31 =	sor.u32 $0xC430, s0;
	s30 =	sor.u32 $0xC440, s0;
	[tilespmem:s16+$0x0] =	vst.add.f32.msk $0xffff, v13  }
0xc7: {  	s28 =	sor.u32 $0xC450, s0;
	s29 =	sor.u32 $0xC460, s0;
	[tilespmem:s26+$0x0] =	vst.add.f32.msk $0xffff, v14;
	s26 =	simm.s32 $0x0  }
.LBB2_6:
0xc8: {  	s25 =	sadd.s32 $0x100, s25;
	[tilespmem:s31+$0x0] =	vst.add.f32.msk $0xffff, v3;
	s24 =	sadd.s32 $0x800, s24  }
0xc9: {  	s26 =	sadd.s32 $0x20, s26;
	s0 =	sand.u32 $0x2000, s25;
	s1 =	sand.u32 $0x1800, s24;
	[tilespmem:s30+$0x0] =	vst.add.f32.msk $0xffff, v2  }
0xca: {  	p0 =	slt.u32 s25, $0x3F00;
	s0 =	sor.u32 s0, s1;
	s1 =	sand.u32 $0x380, s26;
	[tilespmem:s28+$0x0] =	vst.add.f32.msk $0xffff, v0  }
0xcb: {  	s0 =	sor.u32 s1, s0;
	[tilespmem:s29+$0x0] =	vst.add.f32.msk $0xffff, v1  }
0xcc: {  	s1 =	sor.u32 $0xC000, s0;
	s4 =	sor.u32 $0xC010, s0;
	s5 =	sor.u32 $0xC020, s0;
	v0 =	vld [tilespmem:s0+$0x470]  }
0xcd: {  	s6 =	sor.u32 $0xC030, s0;
	s7 =	sor.u32 $0xC040, s0;
	s8 =	sor.u32 $0xC050, s0;
	v4 =	vld [tilespmem:s0+$0x0]  }
0xce: {  	s9 =	sor.u32 $0xC060, s0;
	s10 =	sor.u32 $0xC070, s0;
	s11 =	sor.u32 $0xC400, s0;
	v5 =	vld [tilespmem:s0+$0x10]  }
0xcf: {  	s12 =	sor.u32 $0xC410, s0;
	s14 =	sor.u32 $0xC420, s0;
	s31 =	sor.u32 $0xC430, s0;
	v6 =	vld [tilespmem:s0+$0x20]  }
0xd0: {  	s30 =	sor.u32 $0xC440, s0;
	s28 =	sor.u32 $0xC450, s0;
	s16 =	sor.u32 $0xC470, s0;
	v7 =	vld [tilespmem:s0+$0x30]  }
0xd1: {  	s29 =	sor.u32 $0xC460, s0;
	[tilespmem:s16+$0x0] =	vst.add.f32.msk $0xffff, v0  }
0xd2: {  	v8 =	vld [tilespmem:s0+$0x40]  }
0xd3: {  	v9 =	vld [tilespmem:s0+$0x50]  }
0xd4: {  	v10 =	vld [tilespmem:s0+$0x60]  }
0xd5: {  	v11 =	vld [tilespmem:s0+$0x70]  }
0xd6: {  	v12 =	vld [tilespmem:s0+$0x400]  }
0xd7: {  	v13 =	vld [tilespmem:s0+$0x410]  }
0xd8: {  	v14 =	vld [tilespmem:s0+$0x420]  }
0xd9: {  	v3 =	vld [tilespmem:s0+$0x430]  }
0xda: {  	v2 =	vld [tilespmem:s0+$0x440]  }
0xdb: {  	v0 =	vld [tilespmem:s0+$0x450]  }
0xdc: {  	v1 =	vld [tilespmem:s0+$0x460]  }
0xdd: {  	[tilespmem:s1+$0x0] =	vst.add.f32.msk $0xffff, v4  }
0xde: {  	[tilespmem:s4+$0x0] =	vst.add.f32.msk $0xffff, v5  }
0xdf: {  	[tilespmem:s5+$0x0] =	vst.add.f32.msk $0xffff, v6  }
0xe0: {  	[tilespmem:s6+$0x0] =	vst.add.f32.msk $0xffff, v7  }
0xe1: {  	[tilespmem:s7+$0x0] =	vst.add.f32.msk $0xffff, v8  }
0xe2: {  	[tilespmem:s8+$0x0] =	vst.add.f32.msk $0xffff, v9  }
.Ltmp2:
0xe3: {  	[tilespmem:s9+$0x0] =	vst.add.f32.msk $0xffff, v10;
	(pc) =	sbr.rel @p0 .LBB2_6-.Ltmp2, $4  }
0xe4: {  	[tilespmem:s10+$0x0] =	vst.add.f32.msk $0xffff, v11  }
0xe5: {  	[tilespmem:s11+$0x0] =	vst.add.f32.msk $0xffff, v12  }
0xe6: {  	[tilespmem:s12+$0x0] =	vst.add.f32.msk $0xffff, v13  }
0xe7: {  	[tilespmem:s14+$0x0] =	vst.add.f32.msk $0xffff, v14  }
0xe8: {  	[tilespmem:s31+$0x0] =	vst.add.f32.msk $0xffff, v3  }
0xe9: {  	[tilespmem:s30+$0x0] =	vst.add.f32.msk $0xffff, v2  }
0xea: {  	[tilespmem:s28+$0x0] =	vst.add.f32.msk $0xffff, v0  }
0xeb: {  	[tilespmem:s29+$0x0] =	vst.add.f32.msk $0xffff, v1;
	s24 =	simm.s32 $0x0  }
0xec: {  	s1 =	simm.s32 $0xC000;
	s25 =	simm.s32 $0x0;
	s0 =	rddreg [dreg:$0xa]  }
0xed: {  	[hbm4b:s0+s24] =	stream.linear.scatter [tilespmem:s1], [sflag:$0x7], $0x4000, $0x38;
	[tilespmem:$0x10000] =	vst v63  }
0xee: {  	s4 =	sand.u32 $0x1800, s24;
	s1 =	sand.u32 $0x2000, s25;
	_ =	swait.ge [sflag:s17], $0x4000  }
0xef: {  	s5 =	sand.u32 $0x380, s24;
	s0 =	sor.u32 s1, s4;
	[sflag:s17] =	ssyncset.done $0x0  }
0xf0: {  	s0 =	sor.u32 s5, s0;
	[sflag:s17] =	ssyncadd.s32 $0xFFFFC000  }
0xf1: {  	v0 =	vld [tilespmem:s0+$0x470]  }
0xf2: {  	v4 =	vld [tilespmem:s0+$0x0]  }
0xf3: {  	v5 =	vld [tilespmem:s0+$0x10]  }
0xf4: {  	v6 =	vld [tilespmem:s0+$0x20]  }
0xf5: {  	v7 =	vld [tilespmem:s0+$0x30]  }
0xf6: {  	v8 =	vld [tilespmem:s0+$0x40]  }
0xf7: {  	v9 =	vld [tilespmem:s0+$0x50]  }
0xf8: {  	v10 =	vld [tilespmem:s0+$0x60]  }
0xf9: {  	v11 =	vld [tilespmem:s0+$0x70]  }
0xfa: {  	v12 =	vld [tilespmem:s0+$0x400]  }
0xfb: {  	v13 =	vld [tilespmem:s0+$0x410]  }
0xfc: {  	v14 =	vld [tilespmem:s0+$0x420]  }
0xfd: {  	v3 =	vld [tilespmem:s0+$0x430]  }
0xfe: {  	v2 =	vld [tilespmem:s0+$0x440]  }
0xff: {  	s1 =	sor.u32 $0x4470, s0;
	v1 =	vld [tilespmem:s0+$0x460]  }
0x100: {  	[tilespmem:s1+$0x0] =	vst.add.f32.msk $0xffff, v0  }
0x101: {  	s6 =	sor.u32 $0x4000, s0;
	v0 =	vld [tilespmem:s0+$0x450]  }
0x102: {  	s4 =	sor.u32 $0x4010, s0;
	[tilespmem:s6+$0x0] =	vst.add.f32.msk $0xffff, v4  }
0x103: {  	s7 =	sor.u32 $0x4020, s0;
	[tilespmem:s4+$0x0] =	vst.add.f32.msk $0xffff, v5  }
0x104: {  	s8 =	sor.u32 $0x4030, s0;
	[tilespmem:s7+$0x0] =	vst.add.f32.msk $0xffff, v6  }
0x105: {  	s9 =	sor.u32 $0x4040, s0;
	[tilespmem:s8+$0x0] =	vst.add.f32.msk $0xffff, v7  }
0x106: {  	s10 =	sor.u32 $0x4050, s0;
	[tilespmem:s9+$0x0] =	vst.add.f32.msk $0xffff, v8  }
0x107: {  	s11 =	sor.u32 $0x4060, s0;
	[tilespmem:s10+$0x0] =	vst.add.f32.msk $0xffff, v9  }
0x108: {  	s12 =	sor.u32 $0x4070, s0;
	[tilespmem:s11+$0x0] =	vst.add.f32.msk $0xffff, v10  }
0x109: {  	s14 =	sor.u32 $0x4400, s0;
	[tilespmem:s12+$0x0] =	vst.add.f32.msk $0xffff, v11  }
0x10a: {  	s16 =	sor.u32 $0x4410, s0;
	[tilespmem:s14+$0x0] =	vst.add.f32.msk $0xffff, v12  }
0x10b: {  	s26 =	sor.u32 $0x4420, s0;
	s31 =	sor.u32 $0x4430, s0;
	s30 =	sor.u32 $0x4440, s0;
	[tilespmem:s16+$0x0] =	vst.add.f32.msk $0xffff, v13  }
0x10c: {  	s28 =	sor.u32 $0x4450, s0;
	s29 =	sor.u32 $0x4460, s0;
	[tilespmem:s26+$0x0] =	vst.add.f32.msk $0xffff, v14;
	s26 =	simm.s32 $0x0  }
.LBB2_8:
0x10d: {  	s25 =	sadd.s32 $0x100, s25;
	[tilespmem:s31+$0x0] =	vst.add.f32.msk $0xffff, v3;
	s24 =	sadd.s32 $0x800, s24  }
0x10e: {  	s26 =	sadd.s32 $0x20, s26;
	s0 =	sand.u32 $0x2000, s25;
	s1 =	sand.u32 $0x1800, s24;
	[tilespmem:s30+$0x0] =	vst.add.f32.msk $0xffff, v2  }
0x10f: {  	p0 =	slt.u32 s25, $0x3F00;
	s0 =	sor.u32 s0, s1;
	s1 =	sand.u32 $0x380, s26;
	[tilespmem:s28+$0x0] =	vst.add.f32.msk $0xffff, v0  }
0x110: {  	s0 =	sor.u32 s1, s0;
	[tilespmem:s29+$0x0] =	vst.add.f32.msk $0xffff, v1  }
0x111: {  	s1 =	sor.u32 $0x4000, s0;
	s4 =	sor.u32 $0x4010, s0;
	s5 =	sor.u32 $0x4020, s0;
	v0 =	vld [tilespmem:s0+$0x470]  }
0x112: {  	s6 =	sor.u32 $0x4030, s0;
	s7 =	sor.u32 $0x4040, s0;
	s8 =	sor.u32 $0x4050, s0;
	v4 =	vld [tilespmem:s0+$0x0]  }
0x113: {  	s9 =	sor.u32 $0x4060, s0;
	s10 =	sor.u32 $0x4070, s0;
	s11 =	sor.u32 $0x4400, s0;
	v5 =	vld [tilespmem:s0+$0x10]  }
0x114: {  	s12 =	sor.u32 $0x4410, s0;
	s14 =	sor.u32 $0x4420, s0;
	s31 =	sor.u32 $0x4430, s0;
	v6 =	vld [tilespmem:s0+$0x20]  }
0x115: {  	s30 =	sor.u32 $0x4440, s0;
	s28 =	sor.u32 $0x4450, s0;
	s16 =	sor.u32 $0x4470, s0;
	v7 =	vld [tilespmem:s0+$0x30]  }
0x116: {  	s29 =	sor.u32 $0x4460, s0;
	[tilespmem:s16+$0x0] =	vst.add.f32.msk $0xffff, v0  }
0x117: {  	v8 =	vld [tilespmem:s0+$0x40]  }
0x118: {  	v9 =	vld [tilespmem:s0+$0x50]  }
0x119: {  	v10 =	vld [tilespmem:s0+$0x60]  }
0x11a: {  	v11 =	vld [tilespmem:s0+$0x70]  }
0x11b: {  	v12 =	vld [tilespmem:s0+$0x400]  }
0x11c: {  	v13 =	vld [tilespmem:s0+$0x410]  }
0x11d: {  	v14 =	vld [tilespmem:s0+$0x420]  }
0x11e: {  	v3 =	vld [tilespmem:s0+$0x430]  }
0x11f: {  	v2 =	vld [tilespmem:s0+$0x440]  }
0x120: {  	v0 =	vld [tilespmem:s0+$0x450]  }
0x121: {  	v1 =	vld [tilespmem:s0+$0x460]  }
0x122: {  	[tilespmem:s1+$0x0] =	vst.add.f32.msk $0xffff, v4  }
0x123: {  	[tilespmem:s4+$0x0] =	vst.add.f32.msk $0xffff, v5  }
0x124: {  	[tilespmem:s5+$0x0] =	vst.add.f32.msk $0xffff, v6  }
0x125: {  	[tilespmem:s6+$0x0] =	vst.add.f32.msk $0xffff, v7  }
0x126: {  	[tilespmem:s7+$0x0] =	vst.add.f32.msk $0xffff, v8  }
0x127: {  	[tilespmem:s8+$0x0] =	vst.add.f32.msk $0xffff, v9  }
.Ltmp3:
0x128: {  	[tilespmem:s9+$0x0] =	vst.add.f32.msk $0xffff, v10;
	(pc) =	sbr.rel @p0 .LBB2_8-.Ltmp3, $4  }
0x129: {  	[tilespmem:s10+$0x0] =	vst.add.f32.msk $0xffff, v11  }
0x12a: {  	[tilespmem:s11+$0x0] =	vst.add.f32.msk $0xffff, v12  }
0x12b: {  	[tilespmem:s12+$0x0] =	vst.add.f32.msk $0xffff, v13  }
0x12c: {  	[tilespmem:s14+$0x0] =	vst.add.f32.msk $0xffff, v14  }
0x12d: {  	[tilespmem:s31+$0x0] =	vst.add.f32.msk $0xffff, v3  }
0x12e: {  	[tilespmem:s30+$0x0] =	vst.add.f32.msk $0xffff, v2  }
0x12f: {  	[tilespmem:s28+$0x0] =	vst.add.f32.msk $0xffff, v0  }
0x130: {  	[tilespmem:s29+$0x0] =	vst.add.f32.msk $0xffff, v1  }
0x131: {  	s0 =	rddreg [dreg:$0xb]  }
0x132: {  	[hbm4b:s0+s2] =	stream.linear.scatter [tilespmem:s13], [sflag:$0x5], $0x4000, $0x38;
	[tilespmem:$0x10000] =	vst v63  }
0x133: {  	_ =	swait.ge [sflag:s21], $0x4000  }
0x134: {  	[sflag:s21] =	ssyncset.done $0x0  }
0x135: {  	[sflag:s21] =	ssyncadd.s32 $0xFFFFC000  }
0x136: {  	_ =	swait.ge [sflag:s22], $0x4000  }
0x137: {  	[sflag:s22] =	ssyncset.done $0x0  }
0x138: {  	[sflag:s22] =	ssyncadd.s32 $0xFFFFC000  }
0x139: {  	_ =	swait.ge [sflag:s18], $0x4000  }
0x13a: {  	s23 =	sadd.s32 $0x1, s23;
	s31 =	rddreg [dreg:$0xc]  }
0x13b: {  	p0 =	sne.s32 s23, s31  }
.Ltmp4:
0x13c: {  	_ = 	snop;
	(pc) =	sbr.rel @p0 .LBB2_1-.Ltmp4, $3  }
0x13d: {  	_ =	sdelay $0x1  }
0x13e: {  	[sflag:s18] =	ssyncset.done $0x0  }
0x13f: {  	[sflag:s18] =	ssyncadd.s32 $0xFFFFC000  }
0x140: {  	_ =	sfence.sel $0x180000  }
0x141: {  	[bflag:$0x0] =	sbarrier.arrive $0xFFFF  }
0x142: {  	_ =	strace $0x90000047  }
0x143: {  	s0 =	stileid.u32;
	[bflag:$0x2] =	sbarrier.arrive $0xFFFF  }
0x144: {  	p0 =	sne.s32 s0, $0x0;
	s0 =	rddreg [dreg:$0x3]  }
0x145: {  	s0 =	sadd.s32 @!p0 $0x100000, s0  }
0x146: {  	[sflag:s0] =	ssyncadd.tile.s32 @!p0 $0x1;
	_ =	shalt  }
.Lfunc_end2:
_tile_overlayer_lowered:
.L_overlay_start_2:
0x147: {  	(tag) =	ssettag $0x2  }
0x148: {  	s0 =	rddreg [dreg:$0x0];
	s2 =	stileid.u32  }
0x149: {  	s1 =	rddreg [dreg:$0x1];
	p0 =	sne.s32 s2, $0x0  }
0x14a: {  	s3 =	rddreg [dreg:$0x2];
	[bflag:$0x3] =	sbarrier.arrive $0xFFFF;
	s2 =	simm.s32 @!p0 $0x1C08  }
0x14b: {  	[timem:s3], [sflag:s2] =	dma.local @!p0 [hbm:s0], s1  }
0x14c: {  	s0 =	simm.s32 @!p0 $0x8  }
0x14d: {  	_ =	swait.ge @!p0 [sflag:s0], s1  }
0x14e: {  	s1 =	ssub.s32 @!p0 $0x0, s1;
	[sflag:s0] =	ssyncset.done @!p0 $0x0  }
0x14f: {  	[sflag:s0] =	ssyncadd.s32 @!p0 s1  }
0x150: {  	[bflag:$0x3] =	sbarrier.arrive $0xFFFF  }
0x151: {  	_ =	shalt  }

</sc_bundles>
